<compile_context>
chip_gen: v7x
topology: tpu7x:2x2x1
jax: 0.10.2.dev20260603
libtpu: 0.0.44.dev20260713+nightly
codegen_flags: <defaults>
</compile_context>

<pallas_src>
import functools

import jax
import jax.numpy as jnp
from jax import lax
from jax.experimental import pallas as pl
from jax.experimental.pallas import tpu as pltpu
from jax.experimental.pallas import tpu_sc as plsc


def _gather_rows(idx_flat, pos_embed, n_rows, d):
    info = plsc.get_sparse_core_info()
    nw = info.num_cores * info.num_subcores
    rows_per_w = n_rows // nw
    chunk = 8
    nbuf = 8
    skew = 7
    n_chunks = rows_per_w // chunk
    n_groups = n_chunks // nbuf
    mesh = plsc.VectorSubcoreMesh(core_axis_name="c", subcore_axis_name="s")

    @functools.partial(
        pl.kernel,
        mesh=mesh,
        out_type=jax.ShapeDtypeStruct((n_rows, d), jnp.float32),
        scratch_types=[
            pltpu.VMEM((rows_per_w,), jnp.int32),
            pltpu.VMEM((nbuf, chunk, d), jnp.float32),
        ]
        + [pltpu.SemaphoreType.DMA] * (2 * nbuf),
    )
    def k(table_hbm, idx_hbm, out_hbm, idx_all, rows, *sems):
        wid = lax.axis_index("s") * info.num_cores + lax.axis_index("c")
        base = wid * rows_per_w
        gsems = sems[:nbuf]
        ssems = sems[nbuf:]

        pltpu.sync_copy(idx_hbm.at[pl.ds(base, rows_per_w)], idx_all)

        def gather(i, b):
            pltpu.async_copy(
                table_hbm.at[idx_all.at[pl.ds(i * chunk, chunk)]],
                rows.at[b],
                gsems[b],
            )

        def wait_gather(i, b):
            pltpu.make_async_copy(
                table_hbm.at[idx_all.at[pl.ds(i * chunk, chunk)]],
                rows.at[b],
                gsems[b],
            ).wait()

        def scatter(i, b):
            pltpu.async_copy(
                rows.at[b], out_hbm.at[pl.ds(base + i * chunk, chunk)], ssems[b]
            )

        def wait_scatter(i, b):
            pltpu.make_async_copy(
                rows.at[b], out_hbm.at[pl.ds(base + i * chunk, chunk)], ssems[b]
            ).wait()

        def group(g, carry):
            for kk in range(nbuf):
                i = nbuf * g + kk
                b = kk

                @pl.when(g > 0)
                def _free_buf():
                    wait_scatter(i - nbuf, b)

                gather(i, b)

                h = i - skew
                bh = (kk + nbuf - skew) % nbuf
                if kk < skew:
                    @pl.when(g > 0)
                    def _drain():
                        wait_gather(h, bh)
                        scatter(h, bh)

                else:
                    wait_gather(h, bh)
                    scatter(h, bh)
            return carry

        lax.fori_loop(0, n_groups, group, 0)
        for kk in range(skew):
            h = n_chunks - skew + kk
            wait_gather(h, h % nbuf)
            scatter(h, h % nbuf)
        for b in range(nbuf):
            i = n_chunks - nbuf + b
            wait_scatter(i, b)

    return k(pos_embed, idx_flat)


def kernel(x, pos_embed):
    if x.ndim == 1:
        x = x[None, :]
    b, l = x.shape
    v, d = pos_embed.shape
    idx_flat = x.reshape(b * l).astype(jnp.int32)
    out = _gather_rows(idx_flat, pos_embed, b * l, d)
    return out.reshape(b, l, d)

# --- scband reference (transcript-rebuilt; emitter-appended) ---
"""Pipeline reference for scband-positional-embed-85255100826114 (READ-ONLY COPY).

The authoritative reference and input builder live on the scoring server;
editing this copy changes nothing except your own understanding.
"""

import jax, jax.numpy as jnp
import numpy as np

LENGTH = 8192
EMBED_DIM = 1024
B = 4
L = 8192

def setup_inputs(seed: int = 0) -> dict:
    key = jax.random.key(seed)
    k1, k2 = jax.random.split(key)
    x = jax.random.randint(k1, (B, L), 0, LENGTH)
    pos_embed = 0.02 * jax.random.normal(k2, (LENGTH, EMBED_DIM), dtype=jnp.float32)
    return {"x": x, "pos_embed": pos_embed}

def reference(x, pos_embed):
    # PositionalEmbed.forward with mode='la1d': plain row gather from learned table
    if x.ndim == 1:
        x = x[None, :]
    return jnp.take(pos_embed, x, axis=0)

if __name__ == "__main__":
    import jax
    _d = setup_inputs()
    print(jax.jit(kernel)(*tuple(_d.values())))

</pallas_src>

<mosaic_0001>
#map = affine_map<(d0, d1) -> (0, 0)>
#map1 = affine_map<(d0, d1) -> (0)>
module attributes {stable_mosaic.version = 14 : i64} {
  func.func @k(%arg0: i32, %arg1: i32, %arg2: memref<8192x1024xf32, #tpu.memory_space<hbm>>, %arg3: memref<32768xi32, #tpu.memory_space<hbm>>, %arg4: memref<32768x1024xf32, #tpu.memory_space<hbm>>, %arg5: memref<1024xi32, #tpu.memory_space<vmem>>, %arg6: memref<8x8x1024xf32, #tpu.memory_space<vmem>>, %arg7: memref<!tpu.dma_semaphore, #tpu.memory_space<semaphore_mem>>, %arg8: memref<!tpu.dma_semaphore, #tpu.memory_space<semaphore_mem>>, %arg9: memref<!tpu.dma_semaphore, #tpu.memory_space<semaphore_mem>>, %arg10: memref<!tpu.dma_semaphore, #tpu.memory_space<semaphore_mem>>, %arg11: memref<!tpu.dma_semaphore, #tpu.memory_space<semaphore_mem>>, %arg12: memref<!tpu.dma_semaphore, #tpu.memory_space<semaphore_mem>>, %arg13: memref<!tpu.dma_semaphore, #tpu.memory_space<semaphore_mem>>, %arg14: memref<!tpu.dma_semaphore, #tpu.memory_space<semaphore_mem>>, %arg15: memref<!tpu.dma_semaphore, #tpu.memory_space<semaphore_mem>>, %arg16: memref<!tpu.dma_semaphore, #tpu.memory_space<semaphore_mem>>, %arg17: memref<!tpu.dma_semaphore, #tpu.memory_space<semaphore_mem>>, %arg18: memref<!tpu.dma_semaphore, #tpu.memory_space<semaphore_mem>>, %arg19: memref<!tpu.dma_semaphore, #tpu.memory_space<semaphore_mem>>, %arg20: memref<!tpu.dma_semaphore, #tpu.memory_space<semaphore_mem>>, %arg21: memref<!tpu.dma_semaphore, #tpu.memory_space<semaphore_mem>>, %arg22: memref<!tpu.dma_semaphore, #tpu.memory_space<semaphore_mem>>) attributes {dimension_semantics = [#tpu.dimension_semantics<core_parallel>, #tpu.dimension_semantics<subcore_parallel>], iteration_bounds = array<i64: 2, 16>, scalar_prefetch = 0 : i64, scratch_operands = 18 : i64, tpu.core_type = #tpu.core_type<sc_vector_subcore>, window_params = [{transform_indices = #map}, {transform_indices = #map1}, {transform_indices = #map}]} {
    %mul3A = arith.constant 2 : i32
    %mul3A_0 = arith.muli %arg1, %mul3A : i32
    %add3A = arith.addi %mul3A_0, %arg0 : i32
    %mul3A_1 = arith.constant 1024 : i32
    %mul3A_2 = arith.muli %add3A, %mul3A_1 : i32
    "tpu.region"() ({
      %run_scoped3A = tpu.sem_alloc : memref<!tpu.dma_semaphore, #tpu.memory_space<semaphore_mem>>
      %dma_start3A_301 = tpu.memref_slice %arg3[%mul3A_2] : memref<32768xi32, #tpu.memory_space<hbm>> -> memref<1024xi32, #tpu.memory_space<hbm>>
      %dma_start3A_302 = tpu.memref_slice %arg3[%mul3A_2] : memref<32768xi32, #tpu.memory_space<hbm>> -> memref<1024xi32, #tpu.memory_space<hbm>>
      tpu.enqueue_dma source(%dma_start3A_302 : memref<1024xi32, #tpu.memory_space<hbm>>) target(%arg5 : memref<1024xi32, #tpu.memory_space<vmem>>) target_semaphore(%run_scoped3A : memref<!tpu.dma_semaphore, #tpu.memory_space<semaphore_mem>>)
      %dma_wait3A_303 = tpu.memref_slice %arg3[%mul3A_2] : memref<32768xi32, #tpu.memory_space<hbm>> -> memref<1024xi32, #tpu.memory_space<hbm>>
      %dma_wait3A_304 = tpu.memref_slice %arg3[%mul3A_2] : memref<32768xi32, #tpu.memory_space<hbm>> -> memref<1024xi32, #tpu.memory_space<hbm>>
      tpu.wait_dma2 semaphore(%run_scoped3A : memref<!tpu.dma_semaphore, #tpu.memory_space<semaphore_mem>>) src(%dma_wait3A_304 : memref<1024xi32, #tpu.memory_space<hbm>>) dst(%arg5 : memref<1024xi32, #tpu.memory_space<vmem>>)
      tpu.yield
    }) : () -> ()
    %scan3A = arith.constant 0 : i32
    %scan3A_3 = arith.constant 0 : i32
    %scan3A_4 = arith.constant 16 : i32
    %scan3A_5 = arith.addi %scan3A_3, %scan3A_4 : i32
    %scan3A_6 = arith.constant 1 : i32
    scf.for %scan3A_301 = %scan3A_3 to %scan3A_5 step %scan3A_6  : i32 {
      %mul3A_302 = arith.constant 8 : i32
      %mul3A_303 = arith.muli %mul3A_302, %scan3A_301 : i32
      %add3A_304 = arith.constant 0 : i32
      %add3A_305 = arith.addi %mul3A_303, %add3A_304 : i32
      %gt3A = arith.constant 0 : i32
      %gt3A_306 = arith.cmpi sgt, %scan3A_301, %gt3A : i32
      %convert_element_type3A = arith.extui %gt3A_306 : i1 to i32
      %cond3A = arith.constant 0 : i32
      %cond3A_307 = arith.cmpi ne, %convert_element_type3A, %cond3A : i32
      scf.if %cond3A_307 {
        %sub3A_536 = arith.constant 8 : i32
        %sub3A_537 = arith.subi %add3A_305, %sub3A_536 : i32
        %mul3A_538 = arith.constant 8 : i32
        %mul3A_539 = arith.muli %sub3A_537, %mul3A_538 : i32
        %add3A_540 = arith.addi %mul3A_2, %mul3A_539 : i32
        %dma_wait3A_541 = arith.constant 0 : i32
        %dma_wait3A_542 = arith.constant 0 : i32
        %dma_wait3A_543 = arith.constant 0 : i32
        %dma_wait3A_544 = tpu.memref_slice %arg6[%dma_wait3A_541, %dma_wait3A_542, %dma_wait3A_543] : memref<8x8x1024xf32, #tpu.memory_space<vmem>> -> memref<1x8x1024xf32, #tpu.memory_space<vmem>>
        %dma_wait3A_545 = tpu.memref_squeeze %dma_wait3A_544 : memref<1x8x1024xf32, #tpu.memory_space<vmem>> -> memref<8x1024xf32, #tpu.memory_space<vmem>>
        %dma_wait3A_546 = arith.constant 0 : i32
        %dma_wait3A_547 = tpu.memref_slice %arg4[%add3A_540, %dma_wait3A_546] : memref<32768x1024xf32, #tpu.memory_space<hbm>> -> memref<8x1024xf32, #tpu.memory_space<hbm>>
        %dma_wait3A_548 = arith.constant 0 : i32
        %dma_wait3A_549 = tpu.memref_slice %arg4[%add3A_540, %dma_wait3A_548] : memref<32768x1024xf32, #tpu.memory_space<hbm>> -> memref<8x1024xf32, #tpu.memory_space<hbm>>
        %dma_wait3A_550 = arith.constant 0 : i32
        %dma_wait3A_551 = arith.constant 0 : i32
        %dma_wait3A_552 = tpu.memref_slice %arg6[%dma_wait3A_541, %dma_wait3A_550, %dma_wait3A_551] : memref<8x8x1024xf32, #tpu.memory_space<vmem>> -> memref<1x8x1024xf32, #tpu.memory_space<vmem>>
        %dma_wait3A_553 = tpu.memref_squeeze %dma_wait3A_552 : memref<1x8x1024xf32, #tpu.memory_space<vmem>> -> memref<8x1024xf32, #tpu.memory_space<vmem>>
        tpu.wait_dma2 semaphore(%arg15 : memref<!tpu.dma_semaphore, #tpu.memory_space<semaphore_mem>>) src(%dma_wait3A_553 : memref<8x1024xf32, #tpu.memory_space<vmem>>) dst(%dma_wait3A_549 : memref<8x1024xf32, #tpu.memory_space<hbm>>)
      } else {
      }
      %mul3A_308 = arith.constant 8 : i32
      %mul3A_309 = arith.muli %add3A_305, %mul3A_308 : i32
      %dma_start3A_310 = arith.constant 0 : i32
      %dma_start3A_311 = arith.constant 0 : i32
      %dma_start3A_312 = arith.constant 0 : i32
      %dma_start3A_313 = tpu.memref_slice %arg6[%dma_start3A_310, %dma_start3A_311, %dma_start3A_312] : memref<8x8x1024xf32, #tpu.memory_space<vmem>> -> memref<1x8x1024xf32, #tpu.memory_space<vmem>>
      %dma_start3A_314 = tpu.memref_squeeze %dma_start3A_313 : memref<1x8x1024xf32, #tpu.memory_space<vmem>> -> memref<8x1024xf32, #tpu.memory_space<vmem>>
      %dma_start3A_315 = tpu.memref_slice %arg5[%mul3A_309] : memref<1024xi32, #tpu.memory_space<vmem>> -> memref<8xi32, #tpu.memory_space<vmem>>
      %dma_start3A_316 = arith.constant 0 : i32
      %dma_start3A_317 = arith.constant 0 : i32
      %dma_start3A_318 = tpu.memref_slice %arg2[%dma_start3A_316, %dma_start3A_317] : memref<8192x1024xf32, #tpu.memory_space<hbm>> -> memref<8192x1024xf32, #tpu.memory_space<hbm>>
      tpu.enqueue_indirect_dma source(%dma_start3A_318 : memref<8192x1024xf32, #tpu.memory_space<hbm>>) target(%dma_start3A_314 : memref<8x1024xf32, #tpu.memory_space<vmem>>) offsets(%dma_start3A_315 : memref<8xi32, #tpu.memory_space<vmem>>) semaphore(%arg7 : memref<!tpu.dma_semaphore, #tpu.memory_space<semaphore_mem>>)
      %sub3A = arith.constant 7 : i32
      %sub3A_319 = arith.subi %add3A_305, %sub3A : i32
      %gt3A_320 = arith.constant 0 : i32
      %gt3A_321 = arith.cmpi sgt, %scan3A_301, %gt3A_320 : i32
      %convert_element_type3A_322 = arith.extui %gt3A_321 : i1 to i32
      %cond3A_323 = arith.constant 0 : i32
      %cond3A_324 = arith.cmpi ne, %convert_element_type3A_322, %cond3A_323 : i32
      scf.if %cond3A_324 {
        %mul3A_536 = arith.constant 8 : i32
        %mul3A_537 = arith.muli %sub3A_319, %mul3A_536 : i32
        %dma_wait3A_538 = arith.constant 1 : i32
        %dma_wait3A_539 = arith.constant 0 : i32
        %dma_wait3A_540 = arith.constant 0 : i32
        %dma_wait3A_541 = tpu.memref_slice %arg6[%dma_wait3A_538, %dma_wait3A_539, %dma_wait3A_540] : memref<8x8x1024xf32, #tpu.memory_space<vmem>> -> memref<1x8x1024xf32, #tpu.memory_space<vmem>>
        %dma_wait3A_542 = tpu.memref_squeeze %dma_wait3A_541 : memref<1x8x1024xf32, #tpu.memory_space<vmem>> -> memref<8x1024xf32, #tpu.memory_space<vmem>>
        %dma_wait3A_543 = tpu.memref_slice %arg5[%mul3A_537] : memref<1024xi32, #tpu.memory_space<vmem>> -> memref<8xi32, #tpu.memory_space<vmem>>
        %dma_wait3A_544 = arith.constant 0 : i32
        %dma_wait3A_545 = arith.constant 0 : i32
        %dma_wait3A_546 = tpu.memref_slice %arg2[%dma_wait3A_544, %dma_wait3A_545] : memref<8192x1024xf32, #tpu.memory_space<hbm>> -> memref<8192x1024xf32, #tpu.memory_space<hbm>>
        tpu.wait_indirect_dma semaphore(%arg8 : memref<!tpu.dma_semaphore, #tpu.memory_space<semaphore_mem>>) src(%dma_wait3A_546 : memref<8192x1024xf32, #tpu.memory_space<hbm>>) dst(%dma_wait3A_542 : memref<8x1024xf32, #tpu.memory_space<vmem>>)
        %mul3A_547 = arith.constant 8 : i32
        %mul3A_548 = arith.muli %sub3A_319, %mul3A_547 : i32
        %add3A_549 = arith.addi %mul3A_2, %mul3A_548 : i32
        %dma_start3A_550 = arith.constant 1 : i32
        %dma_start3A_551 = arith.constant 0 : i32
        %dma_start3A_552 = arith.constant 0 : i32
        %dma_start3A_553 = tpu.memref_slice %arg6[%dma_start3A_550, %dma_start3A_551, %dma_start3A_552] : memref<8x8x1024xf32, #tpu.memory_space<vmem>> -> memref<1x8x1024xf32, #tpu.memory_space<vmem>>
        %dma_start3A_554 = tpu.memref_squeeze %dma_start3A_553 : memref<1x8x1024xf32, #tpu.memory_space<vmem>> -> memref<8x1024xf32, #tpu.memory_space<vmem>>
        %dma_start3A_555 = arith.constant 0 : i32
        %dma_start3A_556 = tpu.memref_slice %arg4[%add3A_549, %dma_start3A_555] : memref<32768x1024xf32, #tpu.memory_space<hbm>> -> memref<8x1024xf32, #tpu.memory_space<hbm>>
        %dma_start3A_557 = arith.constant 0 : i32
        %dma_start3A_558 = tpu.memref_slice %arg4[%add3A_549, %dma_start3A_557] : memref<32768x1024xf32, #tpu.memory_space<hbm>> -> memref<8x1024xf32, #tpu.memory_space<hbm>>
        %dma_start3A_559 = arith.constant 0 : i32
        %dma_start3A_560 = arith.constant 0 : i32
        %dma_start3A_561 = tpu.memref_slice %arg6[%dma_start3A_550, %dma_start3A_559, %dma_start3A_560] : memref<8x8x1024xf32, #tpu.memory_space<vmem>> -> memref<1x8x1024xf32, #tpu.memory_space<vmem>>
        %dma_start3A_562 = tpu.memref_squeeze %dma_start3A_561 : memref<1x8x1024xf32, #tpu.memory_space<vmem>> -> memref<8x1024xf32, #tpu.memory_space<vmem>>
        tpu.enqueue_dma source(%dma_start3A_562 : memref<8x1024xf32, #tpu.memory_space<vmem>>) target(%dma_start3A_558 : memref<8x1024xf32, #tpu.memory_space<hbm>>) target_semaphore(%arg16 : memref<!tpu.dma_semaphore, #tpu.memory_space<semaphore_mem>>)
      } else {
      }
      %mul3A_325 = arith.constant 8 : i32
      %mul3A_326 = arith.muli %mul3A_325, %scan3A_301 : i32
      %add3A_327 = arith.constant 1 : i32
      %add3A_328 = arith.addi %mul3A_326, %add3A_327 : i32
      %gt3A_329 = arith.constant 0 : i32
      %gt3A_330 = arith.cmpi sgt, %scan3A_301, %gt3A_329 : i32
      %convert_element_type3A_331 = arith.extui %gt3A_330 : i1 to i32
      %cond3A_332 = arith.constant 0 : i32
      %cond3A_333 = arith.cmpi ne, %convert_element_type3A_331, %cond3A_332 : i32
      scf.if %cond3A_333 {
        %sub3A_536 = arith.constant 8 : i32
        %sub3A_537 = arith.subi %add3A_328, %sub3A_536 : i32
        %mul3A_538 = arith.constant 8 : i32
        %mul3A_539 = arith.muli %sub3A_537, %mul3A_538 : i32
        %add3A_540 = arith.addi %mul3A_2, %mul3A_539 : i32
        %dma_wait3A_541 = arith.constant 1 : i32
        %dma_wait3A_542 = arith.constant 0 : i32
        %dma_wait3A_543 = arith.constant 0 : i32
        %dma_wait3A_544 = tpu.memref_slice %arg6[%dma_wait3A_541, %dma_wait3A_542, %dma_wait3A_543] : memref<8x8x1024xf32, #tpu.memory_space<vmem>> -> memref<1x8x1024xf32, #tpu.memory_space<vmem>>
        %dma_wait3A_545 = tpu.memref_squeeze %dma_wait3A_544 : memref<1x8x1024xf32, #tpu.memory_space<vmem>> -> memref<8x1024xf32, #tpu.memory_space<vmem>>
        %dma_wait3A_546 = arith.constant 0 : i32
        %dma_wait3A_547 = tpu.memref_slice %arg4[%add3A_540, %dma_wait3A_546] : memref<32768x1024xf32, #tpu.memory_space<hbm>> -> memref<8x1024xf32, #tpu.memory_space<hbm>>
        %dma_wait3A_548 = arith.constant 0 : i32
        %dma_wait3A_549 = tpu.memref_slice %arg4[%add3A_540, %dma_wait3A_548] : memref<32768x1024xf32, #tpu.memory_space<hbm>> -> memref<8x1024xf32, #tpu.memory_space<hbm>>
        %dma_wait3A_550 = arith.constant 0 : i32
        %dma_wait3A_551 = arith.constant 0 : i32
        %dma_wait3A_552 = tpu.memref_slice %arg6[%dma_wait3A_541, %dma_wait3A_550, %dma_wait3A_551] : memref<8x8x1024xf32, #tpu.memory_space<vmem>> -> memref<1x8x1024xf32, #tpu.memory_space<vmem>>
        %dma_wait3A_553 = tpu.memref_squeeze %dma_wait3A_552 : memref<1x8x1024xf32, #tpu.memory_space<vmem>> -> memref<8x1024xf32, #tpu.memory_space<vmem>>
        tpu.wait_dma2 semaphore(%arg16 : memref<!tpu.dma_semaphore, #tpu.memory_space<semaphore_mem>>) src(%dma_wait3A_553 : memref<8x1024xf32, #tpu.memory_space<vmem>>) dst(%dma_wait3A_549 : memref<8x1024xf32, #tpu.memory_space<hbm>>)
      } else {
      }
      %mul3A_334 = arith.constant 8 : i32
      %mul3A_335 = arith.muli %add3A_328, %mul3A_334 : i32
      %dma_start3A_336 = arith.constant 1 : i32
      %dma_start3A_337 = arith.constant 0 : i32
      %dma_start3A_338 = arith.constant 0 : i32
      %dma_start3A_339 = tpu.memref_slice %arg6[%dma_start3A_336, %dma_start3A_337, %dma_start3A_338] : memref<8x8x1024xf32, #tpu.memory_space<vmem>> -> memref<1x8x1024xf32, #tpu.memory_space<vmem>>
      %dma_start3A_340 = tpu.memref_squeeze %dma_start3A_339 : memref<1x8x1024xf32, #tpu.memory_space<vmem>> -> memref<8x1024xf32, #tpu.memory_space<vmem>>
      %dma_start3A_341 = tpu.memref_slice %arg5[%mul3A_335] : memref<1024xi32, #tpu.memory_space<vmem>> -> memref<8xi32, #tpu.memory_space<vmem>>
      %dma_start3A_342 = arith.constant 0 : i32
      %dma_start3A_343 = arith.constant 0 : i32
      %dma_start3A_344 = tpu.memref_slice %arg2[%dma_start3A_342, %dma_start3A_343] : memref<8192x1024xf32, #tpu.memory_space<hbm>> -> memref<8192x1024xf32, #tpu.memory_space<hbm>>
      tpu.enqueue_indirect_dma source(%dma_start3A_344 : memref<8192x1024xf32, #tpu.memory_space<hbm>>) target(%dma_start3A_340 : memref<8x1024xf32, #tpu.memory_space<vmem>>) offsets(%dma_start3A_341 : memref<8xi32, #tpu.memory_space<vmem>>) semaphore(%arg8 : memref<!tpu.dma_semaphore, #tpu.memory_space<semaphore_mem>>)
      %sub3A_345 = arith.constant 7 : i32
      %sub3A_346 = arith.subi %add3A_328, %sub3A_345 : i32
      %gt3A_347 = arith.constant 0 : i32
      %gt3A_348 = arith.cmpi sgt, %scan3A_301, %gt3A_347 : i32
      %convert_element_type3A_349 = arith.extui %gt3A_348 : i1 to i32
      %cond3A_350 = arith.constant 0 : i32
      %cond3A_351 = arith.cmpi ne, %convert_element_type3A_349, %cond3A_350 : i32
      scf.if %cond3A_351 {
        %mul3A_536 = arith.constant 8 : i32
        %mul3A_537 = arith.muli %sub3A_346, %mul3A_536 : i32
        %dma_wait3A_538 = arith.constant 2 : i32
        %dma_wait3A_539 = arith.constant 0 : i32
        %dma_wait3A_540 = arith.constant 0 : i32
        %dma_wait3A_541 = tpu.memref_slice %arg6[%dma_wait3A_538, %dma_wait3A_539, %dma_wait3A_540] : memref<8x8x1024xf32, #tpu.memory_space<vmem>> -> memref<1x8x1024xf32, #tpu.memory_space<vmem>>
        %dma_wait3A_542 = tpu.memref_squeeze %dma_wait3A_541 : memref<1x8x1024xf32, #tpu.memory_space<vmem>> -> memref<8x1024xf32, #tpu.memory_space<vmem>>
        %dma_wait3A_543 = tpu.memref_slice %arg5[%mul3A_537] : memref<1024xi32, #tpu.memory_space<vmem>> -> memref<8xi32, #tpu.memory_space<vmem>>
        %dma_wait3A_544 = arith.constant 0 : i32
        %dma_wait3A_545 = arith.constant 0 : i32
        %dma_wait3A_546 = tpu.memref_slice %arg2[%dma_wait3A_544, %dma_wait3A_545] : memref<8192x1024xf32, #tpu.memory_space<hbm>> -> memref<8192x1024xf32, #tpu.memory_space<hbm>>
        tpu.wait_indirect_dma semaphore(%arg9 : memref<!tpu.dma_semaphore, #tpu.memory_space<semaphore_mem>>) src(%dma_wait3A_546 : memref<8192x1024xf32, #tpu.memory_space<hbm>>) dst(%dma_wait3A_542 : memref<8x1024xf32, #tpu.memory_space<vmem>>)
        %mul3A_547 = arith.constant 8 : i32
        %mul3A_548 = arith.muli %sub3A_346, %mul3A_547 : i32
        %add3A_549 = arith.addi %mul3A_2, %mul3A_548 : i32
        %dma_start3A_550 = arith.constant 2 : i32
        %dma_start3A_551 = arith.constant 0 : i32
        %dma_start3A_552 = arith.constant 0 : i32
        %dma_start3A_553 = tpu.memref_slice %arg6[%dma_start3A_550, %dma_start3A_551, %dma_start3A_552] : memref<8x8x1024xf32, #tpu.memory_space<vmem>> -> memref<1x8x1024xf32, #tpu.memory_space<vmem>>
        %dma_start3A_554 = tpu.memref_squeeze %dma_start3A_553 : memref<1x8x1024xf32, #tpu.memory_space<vmem>> -> memref<8x1024xf32, #tpu.memory_space<vmem>>
        %dma_start3A_555 = arith.constant 0 : i32
        %dma_start3A_556 = tpu.memref_slice %arg4[%add3A_549, %dma_start3A_555] : memref<32768x1024xf32, #tpu.memory_space<hbm>> -> memref<8x1024xf32, #tpu.memory_space<hbm>>
        %dma_start3A_557 = arith.constant 0 : i32
        %dma_start3A_558 = tpu.memref_slice %arg4[%add3A_549, %dma_start3A_557] : memref<32768x1024xf32, #tpu.memory_space<hbm>> -> memref<8x1024xf32, #tpu.memory_space<hbm>>
        %dma_start3A_559 = arith.constant 0 : i32
        %dma_start3A_560 = arith.constant 0 : i32
        %dma_start3A_561 = tpu.memref_slice %arg6[%dma_start3A_550, %dma_start3A_559, %dma_start3A_560] : memref<8x8x1024xf32, #tpu.memory_space<vmem>> -> memref<1x8x1024xf32, #tpu.memory_space<vmem>>
        %dma_start3A_562 = tpu.memref_squeeze %dma_start3A_561 : memref<1x8x1024xf32, #tpu.memory_space<vmem>> -> memref<8x1024xf32, #tpu.memory_space<vmem>>
        tpu.enqueue_dma source(%dma_start3A_562 : memref<8x1024xf32, #tpu.memory_space<vmem>>) target(%dma_start3A_558 : memref<8x1024xf32, #tpu.memory_space<hbm>>) target_semaphore(%arg17 : memref<!tpu.dma_semaphore, #tpu.memory_space<semaphore_mem>>)
      } else {
      }
      %mul3A_352 = arith.constant 8 : i32
      %mul3A_353 = arith.muli %mul3A_352, %scan3A_301 : i32
      %add3A_354 = arith.constant 2 : i32
      %add3A_355 = arith.addi %mul3A_353, %add3A_354 : i32
      %gt3A_356 = arith.constant 0 : i32
      %gt3A_357 = arith.cmpi sgt, %scan3A_301, %gt3A_356 : i32
      %convert_element_type3A_358 = arith.extui %gt3A_357 : i1 to i32
      %cond3A_359 = arith.constant 0 : i32
      %cond3A_360 = arith.cmpi ne, %convert_element_type3A_358, %cond3A_359 : i32
      scf.if %cond3A_360 {
        %sub3A_536 = arith.constant 8 : i32
        %sub3A_537 = arith.subi %add3A_355, %sub3A_536 : i32
        %mul3A_538 = arith.constant 8 : i32
        %mul3A_539 = arith.muli %sub3A_537, %mul3A_538 : i32
        %add3A_540 = arith.addi %mul3A_2, %mul3A_539 : i32
        %dma_wait3A_541 = arith.constant 2 : i32
        %dma_wait3A_542 = arith.constant 0 : i32
        %dma_wait3A_543 = arith.constant 0 : i32
        %dma_wait3A_544 = tpu.memref_slice %arg6[%dma_wait3A_541, %dma_wait3A_542, %dma_wait3A_543] : memref<8x8x1024xf32, #tpu.memory_space<vmem>> -> memref<1x8x1024xf32, #tpu.memory_space<vmem>>
        %dma_wait3A_545 = tpu.memref_squeeze %dma_wait3A_544 : memref<1x8x1024xf32, #tpu.memory_space<vmem>> -> memref<8x1024xf32, #tpu.memory_space<vmem>>
        %dma_wait3A_546 = arith.constant 0 : i32
        %dma_wait3A_547 = tpu.memref_slice %arg4[%add3A_540, %dma_wait3A_546] : memref<32768x1024xf32, #tpu.memory_space<hbm>> -> memref<8x1024xf32, #tpu.memory_space<hbm>>
        %dma_wait3A_548 = arith.constant 0 : i32
        %dma_wait3A_549 = tpu.memref_slice %arg4[%add3A_540, %dma_wait3A_548] : memref<32768x1024xf32, #tpu.memory_space<hbm>> -> memref<8x1024xf32, #tpu.memory_space<hbm>>
        %dma_wait3A_550 = arith.constant 0 : i32
        %dma_wait3A_551 = arith.constant 0 : i32
        %dma_wait3A_552 = tpu.memref_slice %arg6[%dma_wait3A_541, %dma_wait3A_550, %dma_wait3A_551] : memref<8x8x1024xf32, #tpu.memory_space<vmem>> -> memref<1x8x1024xf32, #tpu.memory_space<vmem>>
        %dma_wait3A_553 = tpu.memref_squeeze %dma_wait3A_552 : memref<1x8x1024xf32, #tpu.memory_space<vmem>> -> memref<8x1024xf32, #tpu.memory_space<vmem>>
        tpu.wait_dma2 semaphore(%arg17 : memref<!tpu.dma_semaphore, #tpu.memory_space<semaphore_mem>>) src(%dma_wait3A_553 : memref<8x1024xf32, #tpu.memory_space<vmem>>) dst(%dma_wait3A_549 : memref<8x1024xf32, #tpu.memory_space<hbm>>)
      } else {
      }
      %mul3A_361 = arith.constant 8 : i32
      %mul3A_362 = arith.muli %add3A_355, %mul3A_361 : i32
      %dma_start3A_363 = arith.constant 2 : i32
      %dma_start3A_364 = arith.constant 0 : i32
      %dma_start3A_365 = arith.constant 0 : i32
      %dma_start3A_366 = tpu.memref_slice %arg6[%dma_start3A_363, %dma_start3A_364, %dma_start3A_365] : memref<8x8x1024xf32, #tpu.memory_space<vmem>> -> memref<1x8x1024xf32, #tpu.memory_space<vmem>>
      %dma_start3A_367 = tpu.memref_squeeze %dma_start3A_366 : memref<1x8x1024xf32, #tpu.memory_space<vmem>> -> memref<8x1024xf32, #tpu.memory_space<vmem>>
      %dma_start3A_368 = tpu.memref_slice %arg5[%mul3A_362] : memref<1024xi32, #tpu.memory_space<vmem>> -> memref<8xi32, #tpu.memory_space<vmem>>
      %dma_start3A_369 = arith.constant 0 : i32
      %dma_start3A_370 = arith.constant 0 : i32
      %dma_start3A_371 = tpu.memref_slice %arg2[%dma_start3A_369, %dma_start3A_370] : memref<8192x1024xf32, #tpu.memory_space<hbm>> -> memref<8192x1024xf32, #tpu.memory_space<hbm>>
      tpu.enqueue_indirect_dma source(%dma_start3A_371 : memref<8192x1024xf32, #tpu.memory_space<hbm>>) target(%dma_start3A_367 : memref<8x1024xf32, #tpu.memory_space<vmem>>) offsets(%dma_start3A_368 : memref<8xi32, #tpu.memory_space<vmem>>) semaphore(%arg9 : memref<!tpu.dma_semaphore, #tpu.memory_space<semaphore_mem>>)
      %sub3A_372 = arith.constant 7 : i32
      %sub3A_373 = arith.subi %add3A_355, %sub3A_372 : i32
      %gt3A_374 = arith.constant 0 : i32
      %gt3A_375 = arith.cmpi sgt, %scan3A_301, %gt3A_374 : i32
      %convert_element_type3A_376 = arith.extui %gt3A_375 : i1 to i32
      %cond3A_377 = arith.constant 0 : i32
      %cond3A_378 = arith.cmpi ne, %convert_element_type3A_376, %cond3A_377 : i32
      scf.if %cond3A_378 {
        %mul3A_536 = arith.constant 8 : i32
        %mul3A_537 = arith.muli %sub3A_373, %mul3A_536 : i32
        %dma_wait3A_538 = arith.constant 3 : i32
        %dma_wait3A_539 = arith.constant 0 : i32
        %dma_wait3A_540 = arith.constant 0 : i32
        %dma_wait3A_541 = tpu.memref_slice %arg6[%dma_wait3A_538, %dma_wait3A_539, %dma_wait3A_540] : memref<8x8x1024xf32, #tpu.memory_space<vmem>> -> memref<1x8x1024xf32, #tpu.memory_space<vmem>>
        %dma_wait3A_542 = tpu.memref_squeeze %dma_wait3A_541 : memref<1x8x1024xf32, #tpu.memory_space<vmem>> -> memref<8x1024xf32, #tpu.memory_space<vmem>>
        %dma_wait3A_543 = tpu.memref_slice %arg5[%mul3A_537] : memref<1024xi32, #tpu.memory_space<vmem>> -> memref<8xi32, #tpu.memory_space<vmem>>
        %dma_wait3A_544 = arith.constant 0 : i32
        %dma_wait3A_545 = arith.constant 0 : i32
        %dma_wait3A_546 = tpu.memref_slice %arg2[%dma_wait3A_544, %dma_wait3A_545] : memref<8192x1024xf32, #tpu.memory_space<hbm>> -> memref<8192x1024xf32, #tpu.memory_space<hbm>>
        tpu.wait_indirect_dma semaphore(%arg10 : memref<!tpu.dma_semaphore, #tpu.memory_space<semaphore_mem>>) src(%dma_wait3A_546 : memref<8192x1024xf32, #tpu.memory_space<hbm>>) dst(%dma_wait3A_542 : memref<8x1024xf32, #tpu.memory_space<vmem>>)
        %mul3A_547 = arith.constant 8 : i32
        %mul3A_548 = arith.muli %sub3A_373, %mul3A_547 : i32
        %add3A_549 = arith.addi %mul3A_2, %mul3A_548 : i32
        %dma_start3A_550 = arith.constant 3 : i32
        %dma_start3A_551 = arith.constant 0 : i32
        %dma_start3A_552 = arith.constant 0 : i32
        %dma_start3A_553 = tpu.memref_slice %arg6[%dma_start3A_550, %dma_start3A_551, %dma_start3A_552] : memref<8x8x1024xf32, #tpu.memory_space<vmem>> -> memref<1x8x1024xf32, #tpu.memory_space<vmem>>
        %dma_start3A_554 = tpu.memref_squeeze %dma_start3A_553 : memref<1x8x1024xf32, #tpu.memory_space<vmem>> -> memref<8x1024xf32, #tpu.memory_space<vmem>>
        %dma_start3A_555 = arith.constant 0 : i32
        %dma_start3A_556 = tpu.memref_slice %arg4[%add3A_549, %dma_start3A_555] : memref<32768x1024xf32, #tpu.memory_space<hbm>> -> memref<8x1024xf32, #tpu.memory_space<hbm>>
        %dma_start3A_557 = arith.constant 0 : i32
        %dma_start3A_558 = tpu.memref_slice %arg4[%add3A_549, %dma_start3A_557] : memref<32768x1024xf32, #tpu.memory_space<hbm>> -> memref<8x1024xf32, #tpu.memory_space<hbm>>
        %dma_start3A_559 = arith.constant 0 : i32
        %dma_start3A_560 = arith.constant 0 : i32
        %dma_start3A_561 = tpu.memref_slice %arg6[%dma_start3A_550, %dma_start3A_559, %dma_start3A_560] : memref<8x8x1024xf32, #tpu.memory_space<vmem>> -> memref<1x8x1024xf32, #tpu.memory_space<vmem>>
        %dma_start3A_562 = tpu.memref_squeeze %dma_start3A_561 : memref<1x8x1024xf32, #tpu.memory_space<vmem>> -> memref<8x1024xf32, #tpu.memory_space<vmem>>
        tpu.enqueue_dma source(%dma_start3A_562 : memref<8x1024xf32, #tpu.memory_space<vmem>>) target(%dma_start3A_558 : memref<8x1024xf32, #tpu.memory_space<hbm>>) target_semaphore(%arg18 : memref<!tpu.dma_semaphore, #tpu.memory_space<semaphore_mem>>)
      } else {
      }
      %mul3A_379 = arith.constant 8 : i32
      %mul3A_380 = arith.muli %mul3A_379, %scan3A_301 : i32
      %add3A_381 = arith.constant 3 : i32
      %add3A_382 = arith.addi %mul3A_380, %add3A_381 : i32
      %gt3A_383 = arith.constant 0 : i32
      %gt3A_384 = arith.cmpi sgt, %scan3A_301, %gt3A_383 : i32
      %convert_element_type3A_385 = arith.extui %gt3A_384 : i1 to i32
      %cond3A_386 = arith.constant 0 : i32
      %cond3A_387 = arith.cmpi ne, %convert_element_type3A_385, %cond3A_386 : i32
      scf.if %cond3A_387 {
        %sub3A_536 = arith.constant 8 : i32
        %sub3A_537 = arith.subi %add3A_382, %sub3A_536 : i32
        %mul3A_538 = arith.constant 8 : i32
        %mul3A_539 = arith.muli %sub3A_537, %mul3A_538 : i32
        %add3A_540 = arith.addi %mul3A_2, %mul3A_539 : i32
        %dma_wait3A_541 = arith.constant 3 : i32
        %dma_wait3A_542 = arith.constant 0 : i32
        %dma_wait3A_543 = arith.constant 0 : i32
        %dma_wait3A_544 = tpu.memref_slice %arg6[%dma_wait3A_541, %dma_wait3A_542, %dma_wait3A_543] : memref<8x8x1024xf32, #tpu.memory_space<vmem>> -> memref<1x8x1024xf32, #tpu.memory_space<vmem>>
        %dma_wait3A_545 = tpu.memref_squeeze %dma_wait3A_544 : memref<1x8x1024xf32, #tpu.memory_space<vmem>> -> memref<8x1024xf32, #tpu.memory_space<vmem>>
        %dma_wait3A_546 = arith.constant 0 : i32
        %dma_wait3A_547 = tpu.memref_slice %arg4[%add3A_540, %dma_wait3A_546] : memref<32768x1024xf32, #tpu.memory_space<hbm>> -> memref<8x1024xf32, #tpu.memory_space<hbm>>
        %dma_wait3A_548 = arith.constant 0 : i32
        %dma_wait3A_549 = tpu.memref_slice %arg4[%add3A_540, %dma_wait3A_548] : memref<32768x1024xf32, #tpu.memory_space<hbm>> -> memref<8x1024xf32, #tpu.memory_space<hbm>>
        %dma_wait3A_550 = arith.constant 0 : i32
        %dma_wait3A_551 = arith.constant 0 : i32
        %dma_wait3A_552 = tpu.memref_slice %arg6[%dma_wait3A_541, %dma_wait3A_550, %dma_wait3A_551] : memref<8x8x1024xf32, #tpu.memory_space<vmem>> -> memref<1x8x1024xf32, #tpu.memory_space<vmem>>
        %dma_wait3A_553 = tpu.memref_squeeze %dma_wait3A_552 : memref<1x8x1024xf32, #tpu.memory_space<vmem>> -> memref<8x1024xf32, #tpu.memory_space<vmem>>
        tpu.wait_dma2 semaphore(%arg18 : memref<!tpu.dma_semaphore, #tpu.memory_space<semaphore_mem>>) src(%dma_wait3A_553 : memref<8x1024xf32, #tpu.memory_space<vmem>>) dst(%dma_wait3A_549 : memref<8x1024xf32, #tpu.memory_space<hbm>>)
      } else {
      }
      %mul3A_388 = arith.constant 8 : i32
      %mul3A_389 = arith.muli %add3A_382, %mul3A_388 : i32
      %dma_start3A_390 = arith.constant 3 : i32
      %dma_start3A_391 = arith.constant 0 : i32
      %dma_start3A_392 = arith.constant 0 : i32
      %dma_start3A_393 = tpu.memref_slice %arg6[%dma_start3A_390, %dma_start3A_391, %dma_start3A_392] : memref<8x8x1024xf32, #tpu.memory_space<vmem>> -> memref<1x8x1024xf32, #tpu.memory_space<vmem>>
      %dma_start3A_394 = tpu.memref_squeeze %dma_start3A_393 : memref<1x8x1024xf32, #tpu.memory_space<vmem>> -> memref<8x1024xf32, #tpu.memory_space<vmem>>
      %dma_start3A_395 = tpu.memref_slice %arg5[%mul3A_389] : memref<1024xi32, #tpu.memory_space<vmem>> -> memref<8xi32, #tpu.memory_space<vmem>>
      %dma_start3A_396 = arith.constant 0 : i32
      %dma_start3A_397 = arith.constant 0 : i32
      %dma_start3A_398 = tpu.memref_slice %arg2[%dma_start3A_396, %dma_start3A_397] : memref<8192x1024xf32, #tpu.memory_space<hbm>> -> memref<8192x1024xf32, #tpu.memory_space<hbm>>
      tpu.enqueue_indirect_dma source(%dma_start3A_398 : memref<8192x1024xf32, #tpu.memory_space<hbm>>) target(%dma_start3A_394 : memref<8x1024xf32, #tpu.memory_space<vmem>>) offsets(%dma_start3A_395 : memref<8xi32, #tpu.memory_space<vmem>>) semaphore(%arg10 : memref<!tpu.dma_semaphore, #tpu.memory_space<semaphore_mem>>)
      %sub3A_399 = arith.constant 7 : i32
      %sub3A_400 = arith.subi %add3A_382, %sub3A_399 : i32
      %gt3A_401 = arith.constant 0 : i32
      %gt3A_402 = arith.cmpi sgt, %scan3A_301, %gt3A_401 : i32
      %convert_element_type3A_403 = arith.extui %gt3A_402 : i1 to i32
      %cond3A_404 = arith.constant 0 : i32
      %cond3A_405 = arith.cmpi ne, %convert_element_type3A_403, %cond3A_404 : i32
      scf.if %cond3A_405 {
        %mul3A_536 = arith.constant 8 : i32
        %mul3A_537 = arith.muli %sub3A_400, %mul3A_536 : i32
        %dma_wait3A_538 = arith.constant 4 : i32
        %dma_wait3A_539 = arith.constant 0 : i32
        %dma_wait3A_540 = arith.constant 0 : i32
        %dma_wait3A_541 = tpu.memref_slice %arg6[%dma_wait3A_538, %dma_wait3A_539, %dma_wait3A_540] : memref<8x8x1024xf32, #tpu.memory_space<vmem>> -> memref<1x8x1024xf32, #tpu.memory_space<vmem>>
        %dma_wait3A_542 = tpu.memref_squeeze %dma_wait3A_541 : memref<1x8x1024xf32, #tpu.memory_space<vmem>> -> memref<8x1024xf32, #tpu.memory_space<vmem>>
        %dma_wait3A_543 = tpu.memref_slice %arg5[%mul3A_537] : memref<1024xi32, #tpu.memory_space<vmem>> -> memref<8xi32, #tpu.memory_space<vmem>>
        %dma_wait3A_544 = arith.constant 0 : i32
        %dma_wait3A_545 = arith.constant 0 : i32
        %dma_wait3A_546 = tpu.memref_slice %arg2[%dma_wait3A_544, %dma_wait3A_545] : memref<8192x1024xf32, #tpu.memory_space<hbm>> -> memref<8192x1024xf32, #tpu.memory_space<hbm>>
        tpu.wait_indirect_dma semaphore(%arg11 : memref<!tpu.dma_semaphore, #tpu.memory_space<semaphore_mem>>) src(%dma_wait3A_546 : memref<8192x1024xf32, #tpu.memory_space<hbm>>) dst(%dma_wait3A_542 : memref<8x1024xf32, #tpu.memory_space<vmem>>)
        %mul3A_547 = arith.constant 8 : i32
        %mul3A_548 = arith.muli %sub3A_400, %mul3A_547 : i32
        %add3A_549 = arith.addi %mul3A_2, %mul3A_548 : i32
        %dma_start3A_550 = arith.constant 4 : i32
        %dma_start3A_551 = arith.constant 0 : i32
        %dma_start3A_552 = arith.constant 0 : i32
        %dma_start3A_553 = tpu.memref_slice %arg6[%dma_start3A_550, %dma_start3A_551, %dma_start3A_552] : memref<8x8x1024xf32, #tpu.memory_space<vmem>> -> memref<1x8x1024xf32, #tpu.memory_space<vmem>>
        %dma_start3A_554 = tpu.memref_squeeze %dma_start3A_553 : memref<1x8x1024xf32, #tpu.memory_space<vmem>> -> memref<8x1024xf32, #tpu.memory_space<vmem>>
        %dma_start3A_555 = arith.constant 0 : i32
        %dma_start3A_556 = tpu.memref_slice %arg4[%add3A_549, %dma_start3A_555] : memref<32768x1024xf32, #tpu.memory_space<hbm>> -> memref<8x1024xf32, #tpu.memory_space<hbm>>
        %dma_start3A_557 = arith.constant 0 : i32
        %dma_start3A_558 = tpu.memref_slice %arg4[%add3A_549, %dma_start3A_557] : memref<32768x1024xf32, #tpu.memory_space<hbm>> -> memref<8x1024xf32, #tpu.memory_space<hbm>>
        %dma_start3A_559 = arith.constant 0 : i32
        %dma_start3A_560 = arith.constant 0 : i32
        %dma_start3A_561 = tpu.memref_slice %arg6[%dma_start3A_550, %dma_start3A_559, %dma_start3A_560] : memref<8x8x1024xf32, #tpu.memory_space<vmem>> -> memref<1x8x1024xf32, #tpu.memory_space<vmem>>
        %dma_start3A_562 = tpu.memref_squeeze %dma_start3A_561 : memref<1x8x1024xf32, #tpu.memory_space<vmem>> -> memref<8x1024xf32, #tpu.memory_space<vmem>>
        tpu.enqueue_dma source(%dma_start3A_562 : memref<8x1024xf32, #tpu.memory_space<vmem>>) target(%dma_start3A_558 : memref<8x1024xf32, #tpu.memory_space<hbm>>) target_semaphore(%arg19 : memref<!tpu.dma_semaphore, #tpu.memory_space<semaphore_mem>>)
      } else {
      }
      %mul3A_406 = arith.constant 8 : i32
      %mul3A_407 = arith.muli %mul3A_406, %scan3A_301 : i32
      %add3A_408 = arith.constant 4 : i32
      %add3A_409 = arith.addi %mul3A_407, %add3A_408 : i32
      %gt3A_410 = arith.constant 0 : i32
      %gt3A_411 = arith.cmpi sgt, %scan3A_301, %gt3A_410 : i32
      %convert_element_type3A_412 = arith.extui %gt3A_411 : i1 to i32
      %cond3A_413 = arith.constant 0 : i32
      %cond3A_414 = arith.cmpi ne, %convert_element_type3A_412, %cond3A_413 : i32
      scf.if %cond3A_414 {
        %sub3A_536 = arith.constant 8 : i32
        %sub3A_537 = arith.subi %add3A_409, %sub3A_536 : i32
        %mul3A_538 = arith.constant 8 : i32
        %mul3A_539 = arith.muli %sub3A_537, %mul3A_538 : i32
        %add3A_540 = arith.addi %mul3A_2, %mul3A_539 : i32
        %dma_wait3A_541 = arith.constant 4 : i32
        %dma_wait3A_542 = arith.constant 0 : i32
        %dma_wait3A_543 = arith.constant 0 : i32
        %dma_wait3A_544 = tpu.memref_slice %arg6[%dma_wait3A_541, %dma_wait3A_542, %dma_wait3A_543] : memref<8x8x1024xf32, #tpu.memory_space<vmem>> -> memref<1x8x1024xf32, #tpu.memory_space<vmem>>
        %dma_wait3A_545 = tpu.memref_squeeze %dma_wait3A_544 : memref<1x8x1024xf32, #tpu.memory_space<vmem>> -> memref<8x1024xf32, #tpu.memory_space<vmem>>
        %dma_wait3A_546 = arith.constant 0 : i32
        %dma_wait3A_547 = tpu.memref_slice %arg4[%add3A_540, %dma_wait3A_546] : memref<32768x1024xf32, #tpu.memory_space<hbm>> -> memref<8x1024xf32, #tpu.memory_space<hbm>>
        %dma_wait3A_548 = arith.constant 0 : i32
        %dma_wait3A_549 = tpu.memref_slice %arg4[%add3A_540, %dma_wait3A_548] : memref<32768x1024xf32, #tpu.memory_space<hbm>> -> memref<8x1024xf32, #tpu.memory_space<hbm>>
        %dma_wait3A_550 = arith.constant 0 : i32
        %dma_wait3A_551 = arith.constant 0 : i32
        %dma_wait3A_552 = tpu.memref_slice %arg6[%dma_wait3A_541, %dma_wait3A_550, %dma_wait3A_551] : memref<8x8x1024xf32, #tpu.memory_space<vmem>> -> memref<1x8x1024xf32, #tpu.memory_space<vmem>>
        %dma_wait3A_553 = tpu.memref_squeeze %dma_wait3A_552 : memref<1x8x1024xf32, #tpu.memory_space<vmem>> -> memref<8x1024xf32, #tpu.memory_space<vmem>>
        tpu.wait_dma2 semaphore(%arg19 : memref<!tpu.dma_semaphore, #tpu.memory_space<semaphore_mem>>) src(%dma_wait3A_553 : memref<8x1024xf32, #tpu.memory_space<vmem>>) dst(%dma_wait3A_549 : memref<8x1024xf32, #tpu.memory_space<hbm>>)
      } else {
      }
      %mul3A_415 = arith.constant 8 : i32
      %mul3A_416 = arith.muli %add3A_409, %mul3A_415 : i32
      %dma_start3A_417 = arith.constant 4 : i32
      %dma_start3A_418 = arith.constant 0 : i32
      %dma_start3A_419 = arith.constant 0 : i32
      %dma_start3A_420 = tpu.memref_slice %arg6[%dma_start3A_417, %dma_start3A_418, %dma_start3A_419] : memref<8x8x1024xf32, #tpu.memory_space<vmem>> -> memref<1x8x1024xf32, #tpu.memory_space<vmem>>
      %dma_start3A_421 = tpu.memref_squeeze %dma_start3A_420 : memref<1x8x1024xf32, #tpu.memory_space<vmem>> -> memref<8x1024xf32, #tpu.memory_space<vmem>>
      %dma_start3A_422 = tpu.memref_slice %arg5[%mul3A_416] : memref<1024xi32, #tpu.memory_space<vmem>> -> memref<8xi32, #tpu.memory_space<vmem>>
      %dma_start3A_423 = arith.constant 0 : i32
      %dma_start3A_424 = arith.constant 0 : i32
      %dma_start3A_425 = tpu.memref_slice %arg2[%dma_start3A_423, %dma_start3A_424] : memref<8192x1024xf32, #tpu.memory_space<hbm>> -> memref<8192x1024xf32, #tpu.memory_space<hbm>>
      tpu.enqueue_indirect_dma source(%dma_start3A_425 : memref<8192x1024xf32, #tpu.memory_space<hbm>>) target(%dma_start3A_421 : memref<8x1024xf32, #tpu.memory_space<vmem>>) offsets(%dma_start3A_422 : memref<8xi32, #tpu.memory_space<vmem>>) semaphore(%arg11 : memref<!tpu.dma_semaphore, #tpu.memory_space<semaphore_mem>>)
      %sub3A_426 = arith.constant 7 : i32
      %sub3A_427 = arith.subi %add3A_409, %sub3A_426 : i32
      %gt3A_428 = arith.constant 0 : i32
      %gt3A_429 = arith.cmpi sgt, %scan3A_301, %gt3A_428 : i32
      %convert_element_type3A_430 = arith.extui %gt3A_429 : i1 to i32
      %cond3A_431 = arith.constant 0 : i32
      %cond3A_432 = arith.cmpi ne, %convert_element_type3A_430, %cond3A_431 : i32
      scf.if %cond3A_432 {
        %mul3A_536 = arith.constant 8 : i32
        %mul3A_537 = arith.muli %sub3A_427, %mul3A_536 : i32
        %dma_wait3A_538 = arith.constant 5 : i32
        %dma_wait3A_539 = arith.constant 0 : i32
        %dma_wait3A_540 = arith.constant 0 : i32
        %dma_wait3A_541 = tpu.memref_slice %arg6[%dma_wait3A_538, %dma_wait3A_539, %dma_wait3A_540] : memref<8x8x1024xf32, #tpu.memory_space<vmem>> -> memref<1x8x1024xf32, #tpu.memory_space<vmem>>
        %dma_wait3A_542 = tpu.memref_squeeze %dma_wait3A_541 : memref<1x8x1024xf32, #tpu.memory_space<vmem>> -> memref<8x1024xf32, #tpu.memory_space<vmem>>
        %dma_wait3A_543 = tpu.memref_slice %arg5[%mul3A_537] : memref<1024xi32, #tpu.memory_space<vmem>> -> memref<8xi32, #tpu.memory_space<vmem>>
        %dma_wait3A_544 = arith.constant 0 : i32
        %dma_wait3A_545 = arith.constant 0 : i32
        %dma_wait3A_546 = tpu.memref_slice %arg2[%dma_wait3A_544, %dma_wait3A_545] : memref<8192x1024xf32, #tpu.memory_space<hbm>> -> memref<8192x1024xf32, #tpu.memory_space<hbm>>
        tpu.wait_indirect_dma semaphore(%arg12 : memref<!tpu.dma_semaphore, #tpu.memory_space<semaphore_mem>>) src(%dma_wait3A_546 : memref<8192x1024xf32, #tpu.memory_space<hbm>>) dst(%dma_wait3A_542 : memref<8x1024xf32, #tpu.memory_space<vmem>>)
        %mul3A_547 = arith.constant 8 : i32
        %mul3A_548 = arith.muli %sub3A_427, %mul3A_547 : i32
        %add3A_549 = arith.addi %mul3A_2, %mul3A_548 : i32
        %dma_start3A_550 = arith.constant 5 : i32
        %dma_start3A_551 = arith.constant 0 : i32
        %dma_start3A_552 = arith.constant 0 : i32
        %dma_start3A_553 = tpu.memref_slice %arg6[%dma_start3A_550, %dma_start3A_551, %dma_start3A_552] : memref<8x8x1024xf32, #tpu.memory_space<vmem>> -> memref<1x8x1024xf32, #tpu.memory_space<vmem>>
        %dma_start3A_554 = tpu.memref_squeeze %dma_start3A_553 : memref<1x8x1024xf32, #tpu.memory_space<vmem>> -> memref<8x1024xf32, #tpu.memory_space<vmem>>
        %dma_start3A_555 = arith.constant 0 : i32
        %dma_start3A_556 = tpu.memref_slice %arg4[%add3A_549, %dma_start3A_555] : memref<32768x1024xf32, #tpu.memory_space<hbm>> -> memref<8x1024xf32, #tpu.memory_space<hbm>>
        %dma_start3A_557 = arith.constant 0 : i32
        %dma_start3A_558 = tpu.memref_slice %arg4[%add3A_549, %dma_start3A_557] : memref<32768x1024xf32, #tpu.memory_space<hbm>> -> memref<8x1024xf32, #tpu.memory_space<hbm>>
        %dma_start3A_559 = arith.constant 0 : i32
        %dma_start3A_560 = arith.constant 0 : i32
        %dma_start3A_561 = tpu.memref_slice %arg6[%dma_start3A_550, %dma_start3A_559, %dma_start3A_560] : memref<8x8x1024xf32, #tpu.memory_space<vmem>> -> memref<1x8x1024xf32, #tpu.memory_space<vmem>>
        %dma_start3A_562 = tpu.memref_squeeze %dma_start3A_561 : memref<1x8x1024xf32, #tpu.memory_space<vmem>> -> memref<8x1024xf32, #tpu.memory_space<vmem>>
        tpu.enqueue_dma source(%dma_start3A_562 : memref<8x1024xf32, #tpu.memory_space<vmem>>) target(%dma_start3A_558 : memref<8x1024xf32, #tpu.memory_space<hbm>>) target_semaphore(%arg20 : memref<!tpu.dma_semaphore, #tpu.memory_space<semaphore_mem>>)
      } else {
      }
      %mul3A_433 = arith.constant 8 : i32
      %mul3A_434 = arith.muli %mul3A_433, %scan3A_301 : i32
      %add3A_435 = arith.constant 5 : i32
      %add3A_436 = arith.addi %mul3A_434, %add3A_435 : i32
      %gt3A_437 = arith.constant 0 : i32
      %gt3A_438 = arith.cmpi sgt, %scan3A_301, %gt3A_437 : i32
      %convert_element_type3A_439 = arith.extui %gt3A_438 : i1 to i32
      %cond3A_440 = arith.constant 0 : i32
      %cond3A_441 = arith.cmpi ne, %convert_element_type3A_439, %cond3A_440 : i32
      scf.if %cond3A_441 {
        %sub3A_536 = arith.constant 8 : i32
        %sub3A_537 = arith.subi %add3A_436, %sub3A_536 : i32
        %mul3A_538 = arith.constant 8 : i32
        %mul3A_539 = arith.muli %sub3A_537, %mul3A_538 : i32
        %add3A_540 = arith.addi %mul3A_2, %mul3A_539 : i32
        %dma_wait3A_541 = arith.constant 5 : i32
        %dma_wait3A_542 = arith.constant 0 : i32
        %dma_wait3A_543 = arith.constant 0 : i32
        %dma_wait3A_544 = tpu.memref_slice %arg6[%dma_wait3A_541, %dma_wait3A_542, %dma_wait3A_543] : memref<8x8x1024xf32, #tpu.memory_space<vmem>> -> memref<1x8x1024xf32, #tpu.memory_space<vmem>>
        %dma_wait3A_545 = tpu.memref_squeeze %dma_wait3A_544 : memref<1x8x1024xf32, #tpu.memory_space<vmem>> -> memref<8x1024xf32, #tpu.memory_space<vmem>>
        %dma_wait3A_546 = arith.constant 0 : i32
        %dma_wait3A_547 = tpu.memref_slice %arg4[%add3A_540, %dma_wait3A_546] : memref<32768x1024xf32, #tpu.memory_space<hbm>> -> memref<8x1024xf32, #tpu.memory_space<hbm>>
        %dma_wait3A_548 = arith.constant 0 : i32
        %dma_wait3A_549 = tpu.memref_slice %arg4[%add3A_540, %dma_wait3A_548] : memref<32768x1024xf32, #tpu.memory_space<hbm>> -> memref<8x1024xf32, #tpu.memory_space<hbm>>
        %dma_wait3A_550 = arith.constant 0 : i32
        %dma_wait3A_551 = arith.constant 0 : i32
        %dma_wait3A_552 = tpu.memref_slice %arg6[%dma_wait3A_541, %dma_wait3A_550, %dma_wait3A_551] : memref<8x8x1024xf32, #tpu.memory_space<vmem>> -> memref<1x8x1024xf32, #tpu.memory_space<vmem>>
        %dma_wait3A_553 = tpu.memref_squeeze %dma_wait3A_552 : memref<1x8x1024xf32, #tpu.memory_space<vmem>> -> memref<8x1024xf32, #tpu.memory_space<vmem>>
        tpu.wait_dma2 semaphore(%arg20 : memref<!tpu.dma_semaphore, #tpu.memory_space<semaphore_mem>>) src(%dma_wait3A_553 : memref<8x1024xf32, #tpu.memory_space<vmem>>) dst(%dma_wait3A_549 : memref<8x1024xf32, #tpu.memory_space<hbm>>)
      } else {
      }
      %mul3A_442 = arith.constant 8 : i32
      %mul3A_443 = arith.muli %add3A_436, %mul3A_442 : i32
      %dma_start3A_444 = arith.constant 5 : i32
      %dma_start3A_445 = arith.constant 0 : i32
      %dma_start3A_446 = arith.constant 0 : i32
      %dma_start3A_447 = tpu.memref_slice %arg6[%dma_start3A_444, %dma_start3A_445, %dma_start3A_446] : memref<8x8x1024xf32, #tpu.memory_space<vmem>> -> memref<1x8x1024xf32, #tpu.memory_space<vmem>>
      %dma_start3A_448 = tpu.memref_squeeze %dma_start3A_447 : memref<1x8x1024xf32, #tpu.memory_space<vmem>> -> memref<8x1024xf32, #tpu.memory_space<vmem>>
      %dma_start3A_449 = tpu.memref_slice %arg5[%mul3A_443] : memref<1024xi32, #tpu.memory_space<vmem>> -> memref<8xi32, #tpu.memory_space<vmem>>
      %dma_start3A_450 = arith.constant 0 : i32
      %dma_start3A_451 = arith.constant 0 : i32
      %dma_start3A_452 = tpu.memref_slice %arg2[%dma_start3A_450, %dma_start3A_451] : memref<8192x1024xf32, #tpu.memory_space<hbm>> -> memref<8192x1024xf32, #tpu.memory_space<hbm>>
      tpu.enqueue_indirect_dma source(%dma_start3A_452 : memref<8192x1024xf32, #tpu.memory_space<hbm>>) target(%dma_start3A_448 : memref<8x1024xf32, #tpu.memory_space<vmem>>) offsets(%dma_start3A_449 : memref<8xi32, #tpu.memory_space<vmem>>) semaphore(%arg12 : memref<!tpu.dma_semaphore, #tpu.memory_space<semaphore_mem>>)
      %sub3A_453 = arith.constant 7 : i32
      %sub3A_454 = arith.subi %add3A_436, %sub3A_453 : i32
      %gt3A_455 = arith.constant 0 : i32
      %gt3A_456 = arith.cmpi sgt, %scan3A_301, %gt3A_455 : i32
      %convert_element_type3A_457 = arith.extui %gt3A_456 : i1 to i32
      %cond3A_458 = arith.constant 0 : i32
      %cond3A_459 = arith.cmpi ne, %convert_element_type3A_457, %cond3A_458 : i32
      scf.if %cond3A_459 {
        %mul3A_536 = arith.constant 8 : i32
        %mul3A_537 = arith.muli %sub3A_454, %mul3A_536 : i32
        %dma_wait3A_538 = arith.constant 6 : i32
        %dma_wait3A_539 = arith.constant 0 : i32
        %dma_wait3A_540 = arith.constant 0 : i32
        %dma_wait3A_541 = tpu.memref_slice %arg6[%dma_wait3A_538, %dma_wait3A_539, %dma_wait3A_540] : memref<8x8x1024xf32, #tpu.memory_space<vmem>> -> memref<1x8x1024xf32, #tpu.memory_space<vmem>>
        %dma_wait3A_542 = tpu.memref_squeeze %dma_wait3A_541 : memref<1x8x1024xf32, #tpu.memory_space<vmem>> -> memref<8x1024xf32, #tpu.memory_space<vmem>>
        %dma_wait3A_543 = tpu.memref_slice %arg5[%mul3A_537] : memref<1024xi32, #tpu.memory_space<vmem>> -> memref<8xi32, #tpu.memory_space<vmem>>
        %dma_wait3A_544 = arith.constant 0 : i32
        %dma_wait3A_545 = arith.constant 0 : i32
        %dma_wait3A_546 = tpu.memref_slice %arg2[%dma_wait3A_544, %dma_wait3A_545] : memref<8192x1024xf32, #tpu.memory_space<hbm>> -> memref<8192x1024xf32, #tpu.memory_space<hbm>>
        tpu.wait_indirect_dma semaphore(%arg13 : memref<!tpu.dma_semaphore, #tpu.memory_space<semaphore_mem>>) src(%dma_wait3A_546 : memref<8192x1024xf32, #tpu.memory_space<hbm>>) dst(%dma_wait3A_542 : memref<8x1024xf32, #tpu.memory_space<vmem>>)
        %mul3A_547 = arith.constant 8 : i32
        %mul3A_548 = arith.muli %sub3A_454, %mul3A_547 : i32
        %add3A_549 = arith.addi %mul3A_2, %mul3A_548 : i32
        %dma_start3A_550 = arith.constant 6 : i32
        %dma_start3A_551 = arith.constant 0 : i32
        %dma_start3A_552 = arith.constant 0 : i32
        %dma_start3A_553 = tpu.memref_slice %arg6[%dma_start3A_550, %dma_start3A_551, %dma_start3A_552] : memref<8x8x1024xf32, #tpu.memory_space<vmem>> -> memref<1x8x1024xf32, #tpu.memory_space<vmem>>
        %dma_start3A_554 = tpu.memref_squeeze %dma_start3A_553 : memref<1x8x1024xf32, #tpu.memory_space<vmem>> -> memref<8x1024xf32, #tpu.memory_space<vmem>>
        %dma_start3A_555 = arith.constant 0 : i32
        %dma_start3A_556 = tpu.memref_slice %arg4[%add3A_549, %dma_start3A_555] : memref<32768x1024xf32, #tpu.memory_space<hbm>> -> memref<8x1024xf32, #tpu.memory_space<hbm>>
        %dma_start3A_557 = arith.constant 0 : i32
        %dma_start3A_558 = tpu.memref_slice %arg4[%add3A_549, %dma_start3A_557] : memref<32768x1024xf32, #tpu.memory_space<hbm>> -> memref<8x1024xf32, #tpu.memory_space<hbm>>
        %dma_start3A_559 = arith.constant 0 : i32
        %dma_start3A_560 = arith.constant 0 : i32
        %dma_start3A_561 = tpu.memref_slice %arg6[%dma_start3A_550, %dma_start3A_559, %dma_start3A_560] : memref<8x8x1024xf32, #tpu.memory_space<vmem>> -> memref<1x8x1024xf32, #tpu.memory_space<vmem>>
        %dma_start3A_562 = tpu.memref_squeeze %dma_start3A_561 : memref<1x8x1024xf32, #tpu.memory_space<vmem>> -> memref<8x1024xf32, #tpu.memory_space<vmem>>
        tpu.enqueue_dma source(%dma_start3A_562 : memref<8x1024xf32, #tpu.memory_space<vmem>>) target(%dma_start3A_558 : memref<8x1024xf32, #tpu.memory_space<hbm>>) target_semaphore(%arg21 : memref<!tpu.dma_semaphore, #tpu.memory_space<semaphore_mem>>)
      } else {
      }
      %mul3A_460 = arith.constant 8 : i32
      %mul3A_461 = arith.muli %mul3A_460, %scan3A_301 : i32
      %add3A_462 = arith.constant 6 : i32
      %add3A_463 = arith.addi %mul3A_461, %add3A_462 : i32
      %gt3A_464 = arith.constant 0 : i32
      %gt3A_465 = arith.cmpi sgt, %scan3A_301, %gt3A_464 : i32
      %convert_element_type3A_466 = arith.extui %gt3A_465 : i1 to i32
      %cond3A_467 = arith.constant 0 : i32
      %cond3A_468 = arith.cmpi ne, %convert_element_type3A_466, %cond3A_467 : i32
      scf.if %cond3A_468 {
        %sub3A_536 = arith.constant 8 : i32
        %sub3A_537 = arith.subi %add3A_463, %sub3A_536 : i32
        %mul3A_538 = arith.constant 8 : i32
        %mul3A_539 = arith.muli %sub3A_537, %mul3A_538 : i32
        %add3A_540 = arith.addi %mul3A_2, %mul3A_539 : i32
        %dma_wait3A_541 = arith.constant 6 : i32
        %dma_wait3A_542 = arith.constant 0 : i32
        %dma_wait3A_543 = arith.constant 0 : i32
        %dma_wait3A_544 = tpu.memref_slice %arg6[%dma_wait3A_541, %dma_wait3A_542, %dma_wait3A_543] : memref<8x8x1024xf32, #tpu.memory_space<vmem>> -> memref<1x8x1024xf32, #tpu.memory_space<vmem>>
        %dma_wait3A_545 = tpu.memref_squeeze %dma_wait3A_544 : memref<1x8x1024xf32, #tpu.memory_space<vmem>> -> memref<8x1024xf32, #tpu.memory_space<vmem>>
        %dma_wait3A_546 = arith.constant 0 : i32
        %dma_wait3A_547 = tpu.memref_slice %arg4[%add3A_540, %dma_wait3A_546] : memref<32768x1024xf32, #tpu.memory_space<hbm>> -> memref<8x1024xf32, #tpu.memory_space<hbm>>
        %dma_wait3A_548 = arith.constant 0 : i32
        %dma_wait3A_549 = tpu.memref_slice %arg4[%add3A_540, %dma_wait3A_548] : memref<32768x1024xf32, #tpu.memory_space<hbm>> -> memref<8x1024xf32, #tpu.memory_space<hbm>>
        %dma_wait3A_550 = arith.constant 0 : i32
        %dma_wait3A_551 = arith.constant 0 : i32
        %dma_wait3A_552 = tpu.memref_slice %arg6[%dma_wait3A_541, %dma_wait3A_550, %dma_wait3A_551] : memref<8x8x1024xf32, #tpu.memory_space<vmem>> -> memref<1x8x1024xf32, #tpu.memory_space<vmem>>
        %dma_wait3A_553 = tpu.memref_squeeze %dma_wait3A_552 : memref<1x8x1024xf32, #tpu.memory_space<vmem>> -> memref<8x1024xf32, #tpu.memory_space<vmem>>
        tpu.wait_dma2 semaphore(%arg21 : memref<!tpu.dma_semaphore, #tpu.memory_space<semaphore_mem>>) src(%dma_wait3A_553 : memref<8x1024xf32, #tpu.memory_space<vmem>>) dst(%dma_wait3A_549 : memref<8x1024xf32, #tpu.memory_space<hbm>>)
      } else {
      }
      %mul3A_469 = arith.constant 8 : i32
      %mul3A_470 = arith.muli %add3A_463, %mul3A_469 : i32
      %dma_start3A_471 = arith.constant 6 : i32
      %dma_start3A_472 = arith.constant 0 : i32
      %dma_start3A_473 = arith.constant 0 : i32
      %dma_start3A_474 = tpu.memref_slice %arg6[%dma_start3A_471, %dma_start3A_472, %dma_start3A_473] : memref<8x8x1024xf32, #tpu.memory_space<vmem>> -> memref<1x8x1024xf32, #tpu.memory_space<vmem>>
      %dma_start3A_475 = tpu.memref_squeeze %dma_start3A_474 : memref<1x8x1024xf32, #tpu.memory_space<vmem>> -> memref<8x1024xf32, #tpu.memory_space<vmem>>
      %dma_start3A_476 = tpu.memref_slice %arg5[%mul3A_470] : memref<1024xi32, #tpu.memory_space<vmem>> -> memref<8xi32, #tpu.memory_space<vmem>>
      %dma_start3A_477 = arith.constant 0 : i32
      %dma_start3A_478 = arith.constant 0 : i32
      %dma_start3A_479 = tpu.memref_slice %arg2[%dma_start3A_477, %dma_start3A_478] : memref<8192x1024xf32, #tpu.memory_space<hbm>> -> memref<8192x1024xf32, #tpu.memory_space<hbm>>
      tpu.enqueue_indirect_dma source(%dma_start3A_479 : memref<8192x1024xf32, #tpu.memory_space<hbm>>) target(%dma_start3A_475 : memref<8x1024xf32, #tpu.memory_space<vmem>>) offsets(%dma_start3A_476 : memref<8xi32, #tpu.memory_space<vmem>>) semaphore(%arg13 : memref<!tpu.dma_semaphore, #tpu.memory_space<semaphore_mem>>)
      %sub3A_480 = arith.constant 7 : i32
      %sub3A_481 = arith.subi %add3A_463, %sub3A_480 : i32
      %gt3A_482 = arith.constant 0 : i32
      %gt3A_483 = arith.cmpi sgt, %scan3A_301, %gt3A_482 : i32
      %convert_element_type3A_484 = arith.extui %gt3A_483 : i1 to i32
      %cond3A_485 = arith.constant 0 : i32
      %cond3A_486 = arith.cmpi ne, %convert_element_type3A_484, %cond3A_485 : i32
      scf.if %cond3A_486 {
        %mul3A_536 = arith.constant 8 : i32
        %mul3A_537 = arith.muli %sub3A_481, %mul3A_536 : i32
        %dma_wait3A_538 = arith.constant 7 : i32
        %dma_wait3A_539 = arith.constant 0 : i32
        %dma_wait3A_540 = arith.constant 0 : i32
        %dma_wait3A_541 = tpu.memref_slice %arg6[%dma_wait3A_538, %dma_wait3A_539, %dma_wait3A_540] : memref<8x8x1024xf32, #tpu.memory_space<vmem>> -> memref<1x8x1024xf32, #tpu.memory_space<vmem>>
        %dma_wait3A_542 = tpu.memref_squeeze %dma_wait3A_541 : memref<1x8x1024xf32, #tpu.memory_space<vmem>> -> memref<8x1024xf32, #tpu.memory_space<vmem>>
        %dma_wait3A_543 = tpu.memref_slice %arg5[%mul3A_537] : memref<1024xi32, #tpu.memory_space<vmem>> -> memref<8xi32, #tpu.memory_space<vmem>>
        %dma_wait3A_544 = arith.constant 0 : i32
        %dma_wait3A_545 = arith.constant 0 : i32
        %dma_wait3A_546 = tpu.memref_slice %arg2[%dma_wait3A_544, %dma_wait3A_545] : memref<8192x1024xf32, #tpu.memory_space<hbm>> -> memref<8192x1024xf32, #tpu.memory_space<hbm>>
        tpu.wait_indirect_dma semaphore(%arg14 : memref<!tpu.dma_semaphore, #tpu.memory_space<semaphore_mem>>) src(%dma_wait3A_546 : memref<8192x1024xf32, #tpu.memory_space<hbm>>) dst(%dma_wait3A_542 : memref<8x1024xf32, #tpu.memory_space<vmem>>)
        %mul3A_547 = arith.constant 8 : i32
        %mul3A_548 = arith.muli %sub3A_481, %mul3A_547 : i32
        %add3A_549 = arith.addi %mul3A_2, %mul3A_548 : i32
        %dma_start3A_550 = arith.constant 7 : i32
        %dma_start3A_551 = arith.constant 0 : i32
        %dma_start3A_552 = arith.constant 0 : i32
        %dma_start3A_553 = tpu.memref_slice %arg6[%dma_start3A_550, %dma_start3A_551, %dma_start3A_552] : memref<8x8x1024xf32, #tpu.memory_space<vmem>> -> memref<1x8x1024xf32, #tpu.memory_space<vmem>>
        %dma_start3A_554 = tpu.memref_squeeze %dma_start3A_553 : memref<1x8x1024xf32, #tpu.memory_space<vmem>> -> memref<8x1024xf32, #tpu.memory_space<vmem>>
        %dma_start3A_555 = arith.constant 0 : i32
        %dma_start3A_556 = tpu.memref_slice %arg4[%add3A_549, %dma_start3A_555] : memref<32768x1024xf32, #tpu.memory_space<hbm>> -> memref<8x1024xf32, #tpu.memory_space<hbm>>
        %dma_start3A_557 = arith.constant 0 : i32
        %dma_start3A_558 = tpu.memref_slice %arg4[%add3A_549, %dma_start3A_557] : memref<32768x1024xf32, #tpu.memory_space<hbm>> -> memref<8x1024xf32, #tpu.memory_space<hbm>>
        %dma_start3A_559 = arith.constant 0 : i32
        %dma_start3A_560 = arith.constant 0 : i32
        %dma_start3A_561 = tpu.memref_slice %arg6[%dma_start3A_550, %dma_start3A_559, %dma_start3A_560] : memref<8x8x1024xf32, #tpu.memory_space<vmem>> -> memref<1x8x1024xf32, #tpu.memory_space<vmem>>
        %dma_start3A_562 = tpu.memref_squeeze %dma_start3A_561 : memref<1x8x1024xf32, #tpu.memory_space<vmem>> -> memref<8x1024xf32, #tpu.memory_space<vmem>>
        tpu.enqueue_dma source(%dma_start3A_562 : memref<8x1024xf32, #tpu.memory_space<vmem>>) target(%dma_start3A_558 : memref<8x1024xf32, #tpu.memory_space<hbm>>) target_semaphore(%arg22 : memref<!tpu.dma_semaphore, #tpu.memory_space<semaphore_mem>>)
      } else {
      }
      %mul3A_487 = arith.constant 8 : i32
      %mul3A_488 = arith.muli %mul3A_487, %scan3A_301 : i32
      %add3A_489 = arith.constant 7 : i32
      %add3A_490 = arith.addi %mul3A_488, %add3A_489 : i32
      %gt3A_491 = arith.constant 0 : i32
      %gt3A_492 = arith.cmpi sgt, %scan3A_301, %gt3A_491 : i32
      %convert_element_type3A_493 = arith.extui %gt3A_492 : i1 to i32
      %cond3A_494 = arith.constant 0 : i32
      %cond3A_495 = arith.cmpi ne, %convert_element_type3A_493, %cond3A_494 : i32
      scf.if %cond3A_495 {
        %sub3A_536 = arith.constant 8 : i32
        %sub3A_537 = arith.subi %add3A_490, %sub3A_536 : i32
        %mul3A_538 = arith.constant 8 : i32
        %mul3A_539 = arith.muli %sub3A_537, %mul3A_538 : i32
        %add3A_540 = arith.addi %mul3A_2, %mul3A_539 : i32
        %dma_wait3A_541 = arith.constant 7 : i32
        %dma_wait3A_542 = arith.constant 0 : i32
        %dma_wait3A_543 = arith.constant 0 : i32
        %dma_wait3A_544 = tpu.memref_slice %arg6[%dma_wait3A_541, %dma_wait3A_542, %dma_wait3A_543] : memref<8x8x1024xf32, #tpu.memory_space<vmem>> -> memref<1x8x1024xf32, #tpu.memory_space<vmem>>
        %dma_wait3A_545 = tpu.memref_squeeze %dma_wait3A_544 : memref<1x8x1024xf32, #tpu.memory_space<vmem>> -> memref<8x1024xf32, #tpu.memory_space<vmem>>
        %dma_wait3A_546 = arith.constant 0 : i32
        %dma_wait3A_547 = tpu.memref_slice %arg4[%add3A_540, %dma_wait3A_546] : memref<32768x1024xf32, #tpu.memory_space<hbm>> -> memref<8x1024xf32, #tpu.memory_space<hbm>>
        %dma_wait3A_548 = arith.constant 0 : i32
        %dma_wait3A_549 = tpu.memref_slice %arg4[%add3A_540, %dma_wait3A_548] : memref<32768x1024xf32, #tpu.memory_space<hbm>> -> memref<8x1024xf32, #tpu.memory_space<hbm>>
        %dma_wait3A_550 = arith.constant 0 : i32
        %dma_wait3A_551 = arith.constant 0 : i32
        %dma_wait3A_552 = tpu.memref_slice %arg6[%dma_wait3A_541, %dma_wait3A_550, %dma_wait3A_551] : memref<8x8x1024xf32, #tpu.memory_space<vmem>> -> memref<1x8x1024xf32, #tpu.memory_space<vmem>>
        %dma_wait3A_553 = tpu.memref_squeeze %dma_wait3A_552 : memref<1x8x1024xf32, #tpu.memory_space<vmem>> -> memref<8x1024xf32, #tpu.memory_space<vmem>>
        tpu.wait_dma2 semaphore(%arg22 : memref<!tpu.dma_semaphore, #tpu.memory_space<semaphore_mem>>) src(%dma_wait3A_553 : memref<8x1024xf32, #tpu.memory_space<vmem>>) dst(%dma_wait3A_549 : memref<8x1024xf32, #tpu.memory_space<hbm>>)
      } else {
      }
      %mul3A_496 = arith.constant 8 : i32
      %mul3A_497 = arith.muli %add3A_490, %mul3A_496 : i32
      %dma_start3A_498 = arith.constant 7 : i32
      %dma_start3A_499 = arith.constant 0 : i32
      %dma_start3A_500 = arith.constant 0 : i32
      %dma_start3A_501 = tpu.memref_slice %arg6[%dma_start3A_498, %dma_start3A_499, %dma_start3A_500] : memref<8x8x1024xf32, #tpu.memory_space<vmem>> -> memref<1x8x1024xf32, #tpu.memory_space<vmem>>
      %dma_start3A_502 = tpu.memref_squeeze %dma_start3A_501 : memref<1x8x1024xf32, #tpu.memory_space<vmem>> -> memref<8x1024xf32, #tpu.memory_space<vmem>>
      %dma_start3A_503 = tpu.memref_slice %arg5[%mul3A_497] : memref<1024xi32, #tpu.memory_space<vmem>> -> memref<8xi32, #tpu.memory_space<vmem>>
      %dma_start3A_504 = arith.constant 0 : i32
      %dma_start3A_505 = arith.constant 0 : i32
      %dma_start3A_506 = tpu.memref_slice %arg2[%dma_start3A_504, %dma_start3A_505] : memref<8192x1024xf32, #tpu.memory_space<hbm>> -> memref<8192x1024xf32, #tpu.memory_space<hbm>>
      tpu.enqueue_indirect_dma source(%dma_start3A_506 : memref<8192x1024xf32, #tpu.memory_space<hbm>>) target(%dma_start3A_502 : memref<8x1024xf32, #tpu.memory_space<vmem>>) offsets(%dma_start3A_503 : memref<8xi32, #tpu.memory_space<vmem>>) semaphore(%arg14 : memref<!tpu.dma_semaphore, #tpu.memory_space<semaphore_mem>>)
      %sub3A_507 = arith.constant 7 : i32
      %sub3A_508 = arith.subi %add3A_490, %sub3A_507 : i32
      %mul3A_509 = arith.constant 8 : i32
      %mul3A_510 = arith.muli %sub3A_508, %mul3A_509 : i32
      %dma_wait3A_511 = arith.constant 0 : i32
      %dma_wait3A_512 = arith.constant 0 : i32
      %dma_wait3A_513 = arith.constant 0 : i32
      %dma_wait3A_514 = tpu.memref_slice %arg6[%dma_wait3A_511, %dma_wait3A_512, %dma_wait3A_513] : memref<8x8x1024xf32, #tpu.memory_space<vmem>> -> memref<1x8x1024xf32, #tpu.memory_space<vmem>>
      %dma_wait3A_515 = tpu.memref_squeeze %dma_wait3A_514 : memref<1x8x1024xf32, #tpu.memory_space<vmem>> -> memref<8x1024xf32, #tpu.memory_space<vmem>>
      %dma_wait3A_516 = tpu.memref_slice %arg5[%mul3A_510] : memref<1024xi32, #tpu.memory_space<vmem>> -> memref<8xi32, #tpu.memory_space<vmem>>
      %dma_wait3A_517 = arith.constant 0 : i32
      %dma_wait3A_518 = arith.constant 0 : i32
      %dma_wait3A_519 = tpu.memref_slice %arg2[%dma_wait3A_517, %dma_wait3A_518] : memref<8192x1024xf32, #tpu.memory_space<hbm>> -> memref<8192x1024xf32, #tpu.memory_space<hbm>>
      tpu.wait_indirect_dma semaphore(%arg7 : memref<!tpu.dma_semaphore, #tpu.memory_space<semaphore_mem>>) src(%dma_wait3A_519 : memref<8192x1024xf32, #tpu.memory_space<hbm>>) dst(%dma_wait3A_515 : memref<8x1024xf32, #tpu.memory_space<vmem>>)
      %mul3A_520 = arith.constant 8 : i32
      %mul3A_521 = arith.muli %sub3A_508, %mul3A_520 : i32
      %add3A_522 = arith.addi %mul3A_2, %mul3A_521 : i32
      %dma_start3A_523 = arith.constant 0 : i32
      %dma_start3A_524 = arith.constant 0 : i32
      %dma_start3A_525 = arith.constant 0 : i32
      %dma_start3A_526 = tpu.memref_slice %arg6[%dma_start3A_523, %dma_start3A_524, %dma_start3A_525] : memref<8x8x1024xf32, #tpu.memory_space<vmem>> -> memref<1x8x1024xf32, #tpu.memory_space<vmem>>
      %dma_start3A_527 = tpu.memref_squeeze %dma_start3A_526 : memref<1x8x1024xf32, #tpu.memory_space<vmem>> -> memref<8x1024xf32, #tpu.memory_space<vmem>>
      %dma_start3A_528 = arith.constant 0 : i32
      %dma_start3A_529 = tpu.memref_slice %arg4[%add3A_522, %dma_start3A_528] : memref<32768x1024xf32, #tpu.memory_space<hbm>> -> memref<8x1024xf32, #tpu.memory_space<hbm>>
      %dma_start3A_530 = arith.constant 0 : i32
      %dma_start3A_531 = tpu.memref_slice %arg4[%add3A_522, %dma_start3A_530] : memref<32768x1024xf32, #tpu.memory_space<hbm>> -> memref<8x1024xf32, #tpu.memory_space<hbm>>
      %dma_start3A_532 = arith.constant 0 : i32
      %dma_start3A_533 = arith.constant 0 : i32
      %dma_start3A_534 = tpu.memref_slice %arg6[%dma_start3A_523, %dma_start3A_532, %dma_start3A_533] : memref<8x8x1024xf32, #tpu.memory_space<vmem>> -> memref<1x8x1024xf32, #tpu.memory_space<vmem>>
      %dma_start3A_535 = tpu.memref_squeeze %dma_start3A_534 : memref<1x8x1024xf32, #tpu.memory_space<vmem>> -> memref<8x1024xf32, #tpu.memory_space<vmem>>
      tpu.enqueue_dma source(%dma_start3A_535 : memref<8x1024xf32, #tpu.memory_space<vmem>>) target(%dma_start3A_531 : memref<8x1024xf32, #tpu.memory_space<hbm>>) target_semaphore(%arg15 : memref<!tpu.dma_semaphore, #tpu.memory_space<semaphore_mem>>)
    }
    %scan3A_7 = arith.constant 16 : i32
    %dma_wait3A = arith.constant 1 : i32
    %dma_wait3A_8 = arith.constant 0 : i32
    %dma_wait3A_9 = arith.constant 0 : i32
    %dma_wait3A_10 = tpu.memref_slice %arg6[%dma_wait3A, %dma_wait3A_8, %dma_wait3A_9] : memref<8x8x1024xf32, #tpu.memory_space<vmem>> -> memref<1x8x1024xf32, #tpu.memory_space<vmem>>
    %dma_wait3A_11 = tpu.memref_squeeze %dma_wait3A_10 : memref<1x8x1024xf32, #tpu.memory_space<vmem>> -> memref<8x1024xf32, #tpu.memory_space<vmem>>
    %dma_wait3A_12 = arith.constant 968 : i32
    %dma_wait3A_13 = tpu.memref_slice %arg5[%dma_wait3A_12] : memref<1024xi32, #tpu.memory_space<vmem>> -> memref<8xi32, #tpu.memory_space<vmem>>
    %dma_wait3A_14 = arith.constant 0 : i32
    %dma_wait3A_15 = arith.constant 0 : i32
    %dma_wait3A_16 = tpu.memref_slice %arg2[%dma_wait3A_14, %dma_wait3A_15] : memref<8192x1024xf32, #tpu.memory_space<hbm>> -> memref<8192x1024xf32, #tpu.memory_space<hbm>>
    tpu.wait_indirect_dma semaphore(%arg8 : memref<!tpu.dma_semaphore, #tpu.memory_space<semaphore_mem>>) src(%dma_wait3A_16 : memref<8192x1024xf32, #tpu.memory_space<hbm>>) dst(%dma_wait3A_11 : memref<8x1024xf32, #tpu.memory_space<vmem>>)
    %add3A_17 = arith.constant 968 : i32
    %add3A_18 = arith.addi %mul3A_2, %add3A_17 : i32
    %dma_start3A = arith.constant 1 : i32
    %dma_start3A_19 = arith.constant 0 : i32
    %dma_start3A_20 = arith.constant 0 : i32
    %dma_start3A_21 = tpu.memref_slice %arg6[%dma_start3A, %dma_start3A_19, %dma_start3A_20] : memref<8x8x1024xf32, #tpu.memory_space<vmem>> -> memref<1x8x1024xf32, #tpu.memory_space<vmem>>
    %dma_start3A_22 = tpu.memref_squeeze %dma_start3A_21 : memref<1x8x1024xf32, #tpu.memory_space<vmem>> -> memref<8x1024xf32, #tpu.memory_space<vmem>>
    %dma_start3A_23 = arith.constant 0 : i32
    %dma_start3A_24 = tpu.memref_slice %arg4[%add3A_18, %dma_start3A_23] : memref<32768x1024xf32, #tpu.memory_space<hbm>> -> memref<8x1024xf32, #tpu.memory_space<hbm>>
    %dma_start3A_25 = arith.constant 0 : i32
    %dma_start3A_26 = tpu.memref_slice %arg4[%add3A_18, %dma_start3A_25] : memref<32768x1024xf32, #tpu.memory_space<hbm>> -> memref<8x1024xf32, #tpu.memory_space<hbm>>
    %dma_start3A_27 = arith.constant 0 : i32
    %dma_start3A_28 = arith.constant 0 : i32
    %dma_start3A_29 = tpu.memref_slice %arg6[%dma_start3A, %dma_start3A_27, %dma_start3A_28] : memref<8x8x1024xf32, #tpu.memory_space<vmem>> -> memref<1x8x1024xf32, #tpu.memory_space<vmem>>
    %dma_start3A_30 = tpu.memref_squeeze %dma_start3A_29 : memref<1x8x1024xf32, #tpu.memory_space<vmem>> -> memref<8x1024xf32, #tpu.memory_space<vmem>>
    tpu.enqueue_dma source(%dma_start3A_30 : memref<8x1024xf32, #tpu.memory_space<vmem>>) target(%dma_start3A_26 : memref<8x1024xf32, #tpu.memory_space<hbm>>) target_semaphore(%arg16 : memref<!tpu.dma_semaphore, #tpu.memory_space<semaphore_mem>>)
    %dma_wait3A_31 = arith.constant 2 : i32
    %dma_wait3A_32 = arith.constant 0 : i32
    %dma_wait3A_33 = arith.constant 0 : i32
    %dma_wait3A_34 = tpu.memref_slice %arg6[%dma_wait3A_31, %dma_wait3A_32, %dma_wait3A_33] : memref<8x8x1024xf32, #tpu.memory_space<vmem>> -> memref<1x8x1024xf32, #tpu.memory_space<vmem>>
    %dma_wait3A_35 = tpu.memref_squeeze %dma_wait3A_34 : memref<1x8x1024xf32, #tpu.memory_space<vmem>> -> memref<8x1024xf32, #tpu.memory_space<vmem>>
    %dma_wait3A_36 = arith.constant 976 : i32
    %dma_wait3A_37 = tpu.memref_slice %arg5[%dma_wait3A_36] : memref<1024xi32, #tpu.memory_space<vmem>> -> memref<8xi32, #tpu.memory_space<vmem>>
    %dma_wait3A_38 = arith.constant 0 : i32
    %dma_wait3A_39 = arith.constant 0 : i32
    %dma_wait3A_40 = tpu.memref_slice %arg2[%dma_wait3A_38, %dma_wait3A_39] : memref<8192x1024xf32, #tpu.memory_space<hbm>> -> memref<8192x1024xf32, #tpu.memory_space<hbm>>
    tpu.wait_indirect_dma semaphore(%arg9 : memref<!tpu.dma_semaphore, #tpu.memory_space<semaphore_mem>>) src(%dma_wait3A_40 : memref<8192x1024xf32, #tpu.memory_space<hbm>>) dst(%dma_wait3A_35 : memref<8x1024xf32, #tpu.memory_space<vmem>>)
    %add3A_41 = arith.constant 976 : i32
    %add3A_42 = arith.addi %mul3A_2, %add3A_41 : i32
    %dma_start3A_43 = arith.constant 2 : i32
    %dma_start3A_44 = arith.constant 0 : i32
    %dma_start3A_45 = arith.constant 0 : i32
    %dma_start3A_46 = tpu.memref_slice %arg6[%dma_start3A_43, %dma_start3A_44, %dma_start3A_45] : memref<8x8x1024xf32, #tpu.memory_space<vmem>> -> memref<1x8x1024xf32, #tpu.memory_space<vmem>>
    %dma_start3A_47 = tpu.memref_squeeze %dma_start3A_46 : memref<1x8x1024xf32, #tpu.memory_space<vmem>> -> memref<8x1024xf32, #tpu.memory_space<vmem>>
    %dma_start3A_48 = arith.constant 0 : i32
    %dma_start3A_49 = tpu.memref_slice %arg4[%add3A_42, %dma_start3A_48] : memref<32768x1024xf32, #tpu.memory_space<hbm>> -> memref<8x1024xf32, #tpu.memory_space<hbm>>
    %dma_start3A_50 = arith.constant 0 : i32
    %dma_start3A_51 = tpu.memref_slice %arg4[%add3A_42, %dma_start3A_50] : memref<32768x1024xf32, #tpu.memory_space<hbm>> -> memref<8x1024xf32, #tpu.memory_space<hbm>>
    %dma_start3A_52 = arith.constant 0 : i32
    %dma_start3A_53 = arith.constant 0 : i32
    %dma_start3A_54 = tpu.memref_slice %arg6[%dma_start3A_43, %dma_start3A_52, %dma_start3A_53] : memref<8x8x1024xf32, #tpu.memory_space<vmem>> -> memref<1x8x1024xf32, #tpu.memory_space<vmem>>
    %dma_start3A_55 = tpu.memref_squeeze %dma_start3A_54 : memref<1x8x1024xf32, #tpu.memory_space<vmem>> -> memref<8x1024xf32, #tpu.memory_space<vmem>>
    tpu.enqueue_dma source(%dma_start3A_55 : memref<8x1024xf32, #tpu.memory_space<vmem>>) target(%dma_start3A_51 : memref<8x1024xf32, #tpu.memory_space<hbm>>) target_semaphore(%arg17 : memref<!tpu.dma_semaphore, #tpu.memory_space<semaphore_mem>>)
    %dma_wait3A_56 = arith.constant 3 : i32
    %dma_wait3A_57 = arith.constant 0 : i32
    %dma_wait3A_58 = arith.constant 0 : i32
    %dma_wait3A_59 = tpu.memref_slice %arg6[%dma_wait3A_56, %dma_wait3A_57, %dma_wait3A_58] : memref<8x8x1024xf32, #tpu.memory_space<vmem>> -> memref<1x8x1024xf32, #tpu.memory_space<vmem>>
    %dma_wait3A_60 = tpu.memref_squeeze %dma_wait3A_59 : memref<1x8x1024xf32, #tpu.memory_space<vmem>> -> memref<8x1024xf32, #tpu.memory_space<vmem>>
    %dma_wait3A_61 = arith.constant 984 : i32
    %dma_wait3A_62 = tpu.memref_slice %arg5[%dma_wait3A_61] : memref<1024xi32, #tpu.memory_space<vmem>> -> memref<8xi32, #tpu.memory_space<vmem>>
    %dma_wait3A_63 = arith.constant 0 : i32
    %dma_wait3A_64 = arith.constant 0 : i32
    %dma_wait3A_65 = tpu.memref_slice %arg2[%dma_wait3A_63, %dma_wait3A_64] : memref<8192x1024xf32, #tpu.memory_space<hbm>> -> memref<8192x1024xf32, #tpu.memory_space<hbm>>
    tpu.wait_indirect_dma semaphore(%arg10 : memref<!tpu.dma_semaphore, #tpu.memory_space<semaphore_mem>>) src(%dma_wait3A_65 : memref<8192x1024xf32, #tpu.memory_space<hbm>>) dst(%dma_wait3A_60 : memref<8x1024xf32, #tpu.memory_space<vmem>>)
    %add3A_66 = arith.constant 984 : i32
    %add3A_67 = arith.addi %mul3A_2, %add3A_66 : i32
    %dma_start3A_68 = arith.constant 3 : i32
    %dma_start3A_69 = arith.constant 0 : i32
    %dma_start3A_70 = arith.constant 0 : i32
    %dma_start3A_71 = tpu.memref_slice %arg6[%dma_start3A_68, %dma_start3A_69, %dma_start3A_70] : memref<8x8x1024xf32, #tpu.memory_space<vmem>> -> memref<1x8x1024xf32, #tpu.memory_space<vmem>>
    %dma_start3A_72 = tpu.memref_squeeze %dma_start3A_71 : memref<1x8x1024xf32, #tpu.memory_space<vmem>> -> memref<8x1024xf32, #tpu.memory_space<vmem>>
    %dma_start3A_73 = arith.constant 0 : i32
    %dma_start3A_74 = tpu.memref_slice %arg4[%add3A_67, %dma_start3A_73] : memref<32768x1024xf32, #tpu.memory_space<hbm>> -> memref<8x1024xf32, #tpu.memory_space<hbm>>
    %dma_start3A_75 = arith.constant 0 : i32
    %dma_start3A_76 = tpu.memref_slice %arg4[%add3A_67, %dma_start3A_75] : memref<32768x1024xf32, #tpu.memory_space<hbm>> -> memref<8x1024xf32, #tpu.memory_space<hbm>>
    %dma_start3A_77 = arith.constant 0 : i32
    %dma_start3A_78 = arith.constant 0 : i32
    %dma_start3A_79 = tpu.memref_slice %arg6[%dma_start3A_68, %dma_start3A_77, %dma_start3A_78] : memref<8x8x1024xf32, #tpu.memory_space<vmem>> -> memref<1x8x1024xf32, #tpu.memory_space<vmem>>
    %dma_start3A_80 = tpu.memref_squeeze %dma_start3A_79 : memref<1x8x1024xf32, #tpu.memory_space<vmem>> -> memref<8x1024xf32, #tpu.memory_space<vmem>>
    tpu.enqueue_dma source(%dma_start3A_80 : memref<8x1024xf32, #tpu.memory_space<vmem>>) target(%dma_start3A_76 : memref<8x1024xf32, #tpu.memory_space<hbm>>) target_semaphore(%arg18 : memref<!tpu.dma_semaphore, #tpu.memory_space<semaphore_mem>>)
    %dma_wait3A_81 = arith.constant 4 : i32
    %dma_wait3A_82 = arith.constant 0 : i32
    %dma_wait3A_83 = arith.constant 0 : i32
    %dma_wait3A_84 = tpu.memref_slice %arg6[%dma_wait3A_81, %dma_wait3A_82, %dma_wait3A_83] : memref<8x8x1024xf32, #tpu.memory_space<vmem>> -> memref<1x8x1024xf32, #tpu.memory_space<vmem>>
    %dma_wait3A_85 = tpu.memref_squeeze %dma_wait3A_84 : memref<1x8x1024xf32, #tpu.memory_space<vmem>> -> memref<8x1024xf32, #tpu.memory_space<vmem>>
    %dma_wait3A_86 = arith.constant 992 : i32
    %dma_wait3A_87 = tpu.memref_slice %arg5[%dma_wait3A_86] : memref<1024xi32, #tpu.memory_space<vmem>> -> memref<8xi32, #tpu.memory_space<vmem>>
    %dma_wait3A_88 = arith.constant 0 : i32
    %dma_wait3A_89 = arith.constant 0 : i32
    %dma_wait3A_90 = tpu.memref_slice %arg2[%dma_wait3A_88, %dma_wait3A_89] : memref<8192x1024xf32, #tpu.memory_space<hbm>> -> memref<8192x1024xf32, #tpu.memory_space<hbm>>
    tpu.wait_indirect_dma semaphore(%arg11 : memref<!tpu.dma_semaphore, #tpu.memory_space<semaphore_mem>>) src(%dma_wait3A_90 : memref<8192x1024xf32, #tpu.memory_space<hbm>>) dst(%dma_wait3A_85 : memref<8x1024xf32, #tpu.memory_space<vmem>>)
    %add3A_91 = arith.constant 992 : i32
    %add3A_92 = arith.addi %mul3A_2, %add3A_91 : i32
    %dma_start3A_93 = arith.constant 4 : i32
    %dma_start3A_94 = arith.constant 0 : i32
    %dma_start3A_95 = arith.constant 0 : i32
    %dma_start3A_96 = tpu.memref_slice %arg6[%dma_start3A_93, %dma_start3A_94, %dma_start3A_95] : memref<8x8x1024xf32, #tpu.memory_space<vmem>> -> memref<1x8x1024xf32, #tpu.memory_space<vmem>>
    %dma_start3A_97 = tpu.memref_squeeze %dma_start3A_96 : memref<1x8x1024xf32, #tpu.memory_space<vmem>> -> memref<8x1024xf32, #tpu.memory_space<vmem>>
    %dma_start3A_98 = arith.constant 0 : i32
    %dma_start3A_99 = tpu.memref_slice %arg4[%add3A_92, %dma_start3A_98] : memref<32768x1024xf32, #tpu.memory_space<hbm>> -> memref<8x1024xf32, #tpu.memory_space<hbm>>
    %dma_start3A_100 = arith.constant 0 : i32
    %dma_start3A_101 = tpu.memref_slice %arg4[%add3A_92, %dma_start3A_100] : memref<32768x1024xf32, #tpu.memory_space<hbm>> -> memref<8x1024xf32, #tpu.memory_space<hbm>>
    %dma_start3A_102 = arith.constant 0 : i32
    %dma_start3A_103 = arith.constant 0 : i32
    %dma_start3A_104 = tpu.memref_slice %arg6[%dma_start3A_93, %dma_start3A_102, %dma_start3A_103] : memref<8x8x1024xf32, #tpu.memory_space<vmem>> -> memref<1x8x1024xf32, #tpu.memory_space<vmem>>
    %dma_start3A_105 = tpu.memref_squeeze %dma_start3A_104 : memref<1x8x1024xf32, #tpu.memory_space<vmem>> -> memref<8x1024xf32, #tpu.memory_space<vmem>>
    tpu.enqueue_dma source(%dma_start3A_105 : memref<8x1024xf32, #tpu.memory_space<vmem>>) target(%dma_start3A_101 : memref<8x1024xf32, #tpu.memory_space<hbm>>) target_semaphore(%arg19 : memref<!tpu.dma_semaphore, #tpu.memory_space<semaphore_mem>>)
    %dma_wait3A_106 = arith.constant 5 : i32
    %dma_wait3A_107 = arith.constant 0 : i32
    %dma_wait3A_108 = arith.constant 0 : i32
    %dma_wait3A_109 = tpu.memref_slice %arg6[%dma_wait3A_106, %dma_wait3A_107, %dma_wait3A_108] : memref<8x8x1024xf32, #tpu.memory_space<vmem>> -> memref<1x8x1024xf32, #tpu.memory_space<vmem>>
    %dma_wait3A_110 = tpu.memref_squeeze %dma_wait3A_109 : memref<1x8x1024xf32, #tpu.memory_space<vmem>> -> memref<8x1024xf32, #tpu.memory_space<vmem>>
    %dma_wait3A_111 = arith.constant 1000 : i32
    %dma_wait3A_112 = tpu.memref_slice %arg5[%dma_wait3A_111] : memref<1024xi32, #tpu.memory_space<vmem>> -> memref<8xi32, #tpu.memory_space<vmem>>
    %dma_wait3A_113 = arith.constant 0 : i32
    %dma_wait3A_114 = arith.constant 0 : i32
    %dma_wait3A_115 = tpu.memref_slice %arg2[%dma_wait3A_113, %dma_wait3A_114] : memref<8192x1024xf32, #tpu.memory_space<hbm>> -> memref<8192x1024xf32, #tpu.memory_space<hbm>>
    tpu.wait_indirect_dma semaphore(%arg12 : memref<!tpu.dma_semaphore, #tpu.memory_space<semaphore_mem>>) src(%dma_wait3A_115 : memref<8192x1024xf32, #tpu.memory_space<hbm>>) dst(%dma_wait3A_110 : memref<8x1024xf32, #tpu.memory_space<vmem>>)
    %add3A_116 = arith.constant 1000 : i32
    %add3A_117 = arith.addi %mul3A_2, %add3A_116 : i32
    %dma_start3A_118 = arith.constant 5 : i32
    %dma_start3A_119 = arith.constant 0 : i32
    %dma_start3A_120 = arith.constant 0 : i32
    %dma_start3A_121 = tpu.memref_slice %arg6[%dma_start3A_118, %dma_start3A_119, %dma_start3A_120] : memref<8x8x1024xf32, #tpu.memory_space<vmem>> -> memref<1x8x1024xf32, #tpu.memory_space<vmem>>
    %dma_start3A_122 = tpu.memref_squeeze %dma_start3A_121 : memref<1x8x1024xf32, #tpu.memory_space<vmem>> -> memref<8x1024xf32, #tpu.memory_space<vmem>>
    %dma_start3A_123 = arith.constant 0 : i32
    %dma_start3A_124 = tpu.memref_slice %arg4[%add3A_117, %dma_start3A_123] : memref<32768x1024xf32, #tpu.memory_space<hbm>> -> memref<8x1024xf32, #tpu.memory_space<hbm>>
    %dma_start3A_125 = arith.constant 0 : i32
    %dma_start3A_126 = tpu.memref_slice %arg4[%add3A_117, %dma_start3A_125] : memref<32768x1024xf32, #tpu.memory_space<hbm>> -> memref<8x1024xf32, #tpu.memory_space<hbm>>
    %dma_start3A_127 = arith.constant 0 : i32
    %dma_start3A_128 = arith.constant 0 : i32
    %dma_start3A_129 = tpu.memref_slice %arg6[%dma_start3A_118, %dma_start3A_127, %dma_start3A_128] : memref<8x8x1024xf32, #tpu.memory_space<vmem>> -> memref<1x8x1024xf32, #tpu.memory_space<vmem>>
    %dma_start3A_130 = tpu.memref_squeeze %dma_start3A_129 : memref<1x8x1024xf32, #tpu.memory_space<vmem>> -> memref<8x1024xf32, #tpu.memory_space<vmem>>
    tpu.enqueue_dma source(%dma_start3A_130 : memref<8x1024xf32, #tpu.memory_space<vmem>>) target(%dma_start3A_126 : memref<8x1024xf32, #tpu.memory_space<hbm>>) target_semaphore(%arg20 : memref<!tpu.dma_semaphore, #tpu.memory_space<semaphore_mem>>)
    %dma_wait3A_131 = arith.constant 6 : i32
    %dma_wait3A_132 = arith.constant 0 : i32
    %dma_wait3A_133 = arith.constant 0 : i32
    %dma_wait3A_134 = tpu.memref_slice %arg6[%dma_wait3A_131, %dma_wait3A_132, %dma_wait3A_133] : memref<8x8x1024xf32, #tpu.memory_space<vmem>> -> memref<1x8x1024xf32, #tpu.memory_space<vmem>>
    %dma_wait3A_135 = tpu.memref_squeeze %dma_wait3A_134 : memref<1x8x1024xf32, #tpu.memory_space<vmem>> -> memref<8x1024xf32, #tpu.memory_space<vmem>>
    %dma_wait3A_136 = arith.constant 1008 : i32
    %dma_wait3A_137 = tpu.memref_slice %arg5[%dma_wait3A_136] : memref<1024xi32, #tpu.memory_space<vmem>> -> memref<8xi32, #tpu.memory_space<vmem>>
    %dma_wait3A_138 = arith.constant 0 : i32
    %dma_wait3A_139 = arith.constant 0 : i32
    %dma_wait3A_140 = tpu.memref_slice %arg2[%dma_wait3A_138, %dma_wait3A_139] : memref<8192x1024xf32, #tpu.memory_space<hbm>> -> memref<8192x1024xf32, #tpu.memory_space<hbm>>
    tpu.wait_indirect_dma semaphore(%arg13 : memref<!tpu.dma_semaphore, #tpu.memory_space<semaphore_mem>>) src(%dma_wait3A_140 : memref<8192x1024xf32, #tpu.memory_space<hbm>>) dst(%dma_wait3A_135 : memref<8x1024xf32, #tpu.memory_space<vmem>>)
    %add3A_141 = arith.constant 1008 : i32
    %add3A_142 = arith.addi %mul3A_2, %add3A_141 : i32
    %dma_start3A_143 = arith.constant 6 : i32
    %dma_start3A_144 = arith.constant 0 : i32
    %dma_start3A_145 = arith.constant 0 : i32
    %dma_start3A_146 = tpu.memref_slice %arg6[%dma_start3A_143, %dma_start3A_144, %dma_start3A_145] : memref<8x8x1024xf32, #tpu.memory_space<vmem>> -> memref<1x8x1024xf32, #tpu.memory_space<vmem>>
    %dma_start3A_147 = tpu.memref_squeeze %dma_start3A_146 : memref<1x8x1024xf32, #tpu.memory_space<vmem>> -> memref<8x1024xf32, #tpu.memory_space<vmem>>
    %dma_start3A_148 = arith.constant 0 : i32
    %dma_start3A_149 = tpu.memref_slice %arg4[%add3A_142, %dma_start3A_148] : memref<32768x1024xf32, #tpu.memory_space<hbm>> -> memref<8x1024xf32, #tpu.memory_space<hbm>>
    %dma_start3A_150 = arith.constant 0 : i32
    %dma_start3A_151 = tpu.memref_slice %arg4[%add3A_142, %dma_start3A_150] : memref<32768x1024xf32, #tpu.memory_space<hbm>> -> memref<8x1024xf32, #tpu.memory_space<hbm>>
    %dma_start3A_152 = arith.constant 0 : i32
    %dma_start3A_153 = arith.constant 0 : i32
    %dma_start3A_154 = tpu.memref_slice %arg6[%dma_start3A_143, %dma_start3A_152, %dma_start3A_153] : memref<8x8x1024xf32, #tpu.memory_space<vmem>> -> memref<1x8x1024xf32, #tpu.memory_space<vmem>>
    %dma_start3A_155 = tpu.memref_squeeze %dma_start3A_154 : memref<1x8x1024xf32, #tpu.memory_space<vmem>> -> memref<8x1024xf32, #tpu.memory_space<vmem>>
    tpu.enqueue_dma source(%dma_start3A_155 : memref<8x1024xf32, #tpu.memory_space<vmem>>) target(%dma_start3A_151 : memref<8x1024xf32, #tpu.memory_space<hbm>>) target_semaphore(%arg21 : memref<!tpu.dma_semaphore, #tpu.memory_space<semaphore_mem>>)
    %dma_wait3A_156 = arith.constant 7 : i32
    %dma_wait3A_157 = arith.constant 0 : i32
    %dma_wait3A_158 = arith.constant 0 : i32
    %dma_wait3A_159 = tpu.memref_slice %arg6[%dma_wait3A_156, %dma_wait3A_157, %dma_wait3A_158] : memref<8x8x1024xf32, #tpu.memory_space<vmem>> -> memref<1x8x1024xf32, #tpu.memory_space<vmem>>
    %dma_wait3A_160 = tpu.memref_squeeze %dma_wait3A_159 : memref<1x8x1024xf32, #tpu.memory_space<vmem>> -> memref<8x1024xf32, #tpu.memory_space<vmem>>
    %dma_wait3A_161 = arith.constant 1016 : i32
    %dma_wait3A_162 = tpu.memref_slice %arg5[%dma_wait3A_161] : memref<1024xi32, #tpu.memory_space<vmem>> -> memref<8xi32, #tpu.memory_space<vmem>>
    %dma_wait3A_163 = arith.constant 0 : i32
    %dma_wait3A_164 = arith.constant 0 : i32
    %dma_wait3A_165 = tpu.memref_slice %arg2[%dma_wait3A_163, %dma_wait3A_164] : memref<8192x1024xf32, #tpu.memory_space<hbm>> -> memref<8192x1024xf32, #tpu.memory_space<hbm>>
    tpu.wait_indirect_dma semaphore(%arg14 : memref<!tpu.dma_semaphore, #tpu.memory_space<semaphore_mem>>) src(%dma_wait3A_165 : memref<8192x1024xf32, #tpu.memory_space<hbm>>) dst(%dma_wait3A_160 : memref<8x1024xf32, #tpu.memory_space<vmem>>)
    %add3A_166 = arith.constant 1016 : i32
    %add3A_167 = arith.addi %mul3A_2, %add3A_166 : i32
    %dma_start3A_168 = arith.constant 7 : i32
    %dma_start3A_169 = arith.constant 0 : i32
    %dma_start3A_170 = arith.constant 0 : i32
    %dma_start3A_171 = tpu.memref_slice %arg6[%dma_start3A_168, %dma_start3A_169, %dma_start3A_170] : memref<8x8x1024xf32, #tpu.memory_space<vmem>> -> memref<1x8x1024xf32, #tpu.memory_space<vmem>>
    %dma_start3A_172 = tpu.memref_squeeze %dma_start3A_171 : memref<1x8x1024xf32, #tpu.memory_space<vmem>> -> memref<8x1024xf32, #tpu.memory_space<vmem>>
    %dma_start3A_173 = arith.constant 0 : i32
    %dma_start3A_174 = tpu.memref_slice %arg4[%add3A_167, %dma_start3A_173] : memref<32768x1024xf32, #tpu.memory_space<hbm>> -> memref<8x1024xf32, #tpu.memory_space<hbm>>
    %dma_start3A_175 = arith.constant 0 : i32
    %dma_start3A_176 = tpu.memref_slice %arg4[%add3A_167, %dma_start3A_175] : memref<32768x1024xf32, #tpu.memory_space<hbm>> -> memref<8x1024xf32, #tpu.memory_space<hbm>>
    %dma_start3A_177 = arith.constant 0 : i32
    %dma_start3A_178 = arith.constant 0 : i32
    %dma_start3A_179 = tpu.memref_slice %arg6[%dma_start3A_168, %dma_start3A_177, %dma_start3A_178] : memref<8x8x1024xf32, #tpu.memory_space<vmem>> -> memref<1x8x1024xf32, #tpu.memory_space<vmem>>
    %dma_start3A_180 = tpu.memref_squeeze %dma_start3A_179 : memref<1x8x1024xf32, #tpu.memory_space<vmem>> -> memref<8x1024xf32, #tpu.memory_space<vmem>>
    tpu.enqueue_dma source(%dma_start3A_180 : memref<8x1024xf32, #tpu.memory_space<vmem>>) target(%dma_start3A_176 : memref<8x1024xf32, #tpu.memory_space<hbm>>) target_semaphore(%arg22 : memref<!tpu.dma_semaphore, #tpu.memory_space<semaphore_mem>>)
    %add3A_181 = arith.constant 960 : i32
    %add3A_182 = arith.addi %mul3A_2, %add3A_181 : i32
    %dma_wait3A_183 = arith.constant 0 : i32
    %dma_wait3A_184 = arith.constant 0 : i32
    %dma_wait3A_185 = arith.constant 0 : i32
    %dma_wait3A_186 = tpu.memref_slice %arg6[%dma_wait3A_183, %dma_wait3A_184, %dma_wait3A_185] : memref<8x8x1024xf32, #tpu.memory_space<vmem>> -> memref<1x8x1024xf32, #tpu.memory_space<vmem>>
    %dma_wait3A_187 = tpu.memref_squeeze %dma_wait3A_186 : memref<1x8x1024xf32, #tpu.memory_space<vmem>> -> memref<8x1024xf32, #tpu.memory_space<vmem>>
    %dma_wait3A_188 = arith.constant 0 : i32
    %dma_wait3A_189 = tpu.memref_slice %arg4[%add3A_182, %dma_wait3A_188] : memref<32768x1024xf32, #tpu.memory_space<hbm>> -> memref<8x1024xf32, #tpu.memory_space<hbm>>
    %dma_wait3A_190 = arith.constant 0 : i32
    %dma_wait3A_191 = tpu.memref_slice %arg4[%add3A_182, %dma_wait3A_190] : memref<32768x1024xf32, #tpu.memory_space<hbm>> -> memref<8x1024xf32, #tpu.memory_space<hbm>>
    %dma_wait3A_192 = arith.constant 0 : i32
    %dma_wait3A_193 = arith.constant 0 : i32
    %dma_wait3A_194 = tpu.memref_slice %arg6[%dma_wait3A_183, %dma_wait3A_192, %dma_wait3A_193] : memref<8x8x1024xf32, #tpu.memory_space<vmem>> -> memref<1x8x1024xf32, #tpu.memory_space<vmem>>
    %dma_wait3A_195 = tpu.memref_squeeze %dma_wait3A_194 : memref<1x8x1024xf32, #tpu.memory_space<vmem>> -> memref<8x1024xf32, #tpu.memory_space<vmem>>
    tpu.wait_dma2 semaphore(%arg15 : memref<!tpu.dma_semaphore, #tpu.memory_space<semaphore_mem>>) src(%dma_wait3A_195 : memref<8x1024xf32, #tpu.memory_space<vmem>>) dst(%dma_wait3A_191 : memref<8x1024xf32, #tpu.memory_space<hbm>>)
    %add3A_196 = arith.constant 968 : i32
    %add3A_197 = arith.addi %mul3A_2, %add3A_196 : i32
    %dma_wait3A_198 = arith.constant 1 : i32
    %dma_wait3A_199 = arith.constant 0 : i32
    %dma_wait3A_200 = arith.constant 0 : i32
    %dma_wait3A_201 = tpu.memref_slice %arg6[%dma_wait3A_198, %dma_wait3A_199, %dma_wait3A_200] : memref<8x8x1024xf32, #tpu.memory_space<vmem>> -> memref<1x8x1024xf32, #tpu.memory_space<vmem>>
    %dma_wait3A_202 = tpu.memref_squeeze %dma_wait3A_201 : memref<1x8x1024xf32, #tpu.memory_space<vmem>> -> memref<8x1024xf32, #tpu.memory_space<vmem>>
    %dma_wait3A_203 = arith.constant 0 : i32
    %dma_wait3A_204 = tpu.memref_slice %arg4[%add3A_197, %dma_wait3A_203] : memref<32768x1024xf32, #tpu.memory_space<hbm>> -> memref<8x1024xf32, #tpu.memory_space<hbm>>
    %dma_wait3A_205 = arith.constant 0 : i32
    %dma_wait3A_206 = tpu.memref_slice %arg4[%add3A_197, %dma_wait3A_205] : memref<32768x1024xf32, #tpu.memory_space<hbm>> -> memref<8x1024xf32, #tpu.memory_space<hbm>>
    %dma_wait3A_207 = arith.constant 0 : i32
    %dma_wait3A_208 = arith.constant 0 : i32
    %dma_wait3A_209 = tpu.memref_slice %arg6[%dma_wait3A_198, %dma_wait3A_207, %dma_wait3A_208] : memref<8x8x1024xf32, #tpu.memory_space<vmem>> -> memref<1x8x1024xf32, #tpu.memory_space<vmem>>
    %dma_wait3A_210 = tpu.memref_squeeze %dma_wait3A_209 : memref<1x8x1024xf32, #tpu.memory_space<vmem>> -> memref<8x1024xf32, #tpu.memory_space<vmem>>
    tpu.wait_dma2 semaphore(%arg16 : memref<!tpu.dma_semaphore, #tpu.memory_space<semaphore_mem>>) src(%dma_wait3A_210 : memref<8x1024xf32, #tpu.memory_space<vmem>>) dst(%dma_wait3A_206 : memref<8x1024xf32, #tpu.memory_space<hbm>>)
    %add3A_211 = arith.constant 976 : i32
    %add3A_212 = arith.addi %mul3A_2, %add3A_211 : i32
    %dma_wait3A_213 = arith.constant 2 : i32
    %dma_wait3A_214 = arith.constant 0 : i32
    %dma_wait3A_215 = arith.constant 0 : i32
    %dma_wait3A_216 = tpu.memref_slice %arg6[%dma_wait3A_213, %dma_wait3A_214, %dma_wait3A_215] : memref<8x8x1024xf32, #tpu.memory_space<vmem>> -> memref<1x8x1024xf32, #tpu.memory_space<vmem>>
    %dma_wait3A_217 = tpu.memref_squeeze %dma_wait3A_216 : memref<1x8x1024xf32, #tpu.memory_space<vmem>> -> memref<8x1024xf32, #tpu.memory_space<vmem>>
    %dma_wait3A_218 = arith.constant 0 : i32
    %dma_wait3A_219 = tpu.memref_slice %arg4[%add3A_212, %dma_wait3A_218] : memref<32768x1024xf32, #tpu.memory_space<hbm>> -> memref<8x1024xf32, #tpu.memory_space<hbm>>
    %dma_wait3A_220 = arith.constant 0 : i32
    %dma_wait3A_221 = tpu.memref_slice %arg4[%add3A_212, %dma_wait3A_220] : memref<32768x1024xf32, #tpu.memory_space<hbm>> -> memref<8x1024xf32, #tpu.memory_space<hbm>>
    %dma_wait3A_222 = arith.constant 0 : i32
    %dma_wait3A_223 = arith.constant 0 : i32
    %dma_wait3A_224 = tpu.memref_slice %arg6[%dma_wait3A_213, %dma_wait3A_222, %dma_wait3A_223] : memref<8x8x1024xf32, #tpu.memory_space<vmem>> -> memref<1x8x1024xf32, #tpu.memory_space<vmem>>
    %dma_wait3A_225 = tpu.memref_squeeze %dma_wait3A_224 : memref<1x8x1024xf32, #tpu.memory_space<vmem>> -> memref<8x1024xf32, #tpu.memory_space<vmem>>
    tpu.wait_dma2 semaphore(%arg17 : memref<!tpu.dma_semaphore, #tpu.memory_space<semaphore_mem>>) src(%dma_wait3A_225 : memref<8x1024xf32, #tpu.memory_space<vmem>>) dst(%dma_wait3A_221 : memref<8x1024xf32, #tpu.memory_space<hbm>>)
    %add3A_226 = arith.constant 984 : i32
    %add3A_227 = arith.addi %mul3A_2, %add3A_226 : i32
    %dma_wait3A_228 = arith.constant 3 : i32
    %dma_wait3A_229 = arith.constant 0 : i32
    %dma_wait3A_230 = arith.constant 0 : i32
    %dma_wait3A_231 = tpu.memref_slice %arg6[%dma_wait3A_228, %dma_wait3A_229, %dma_wait3A_230] : memref<8x8x1024xf32, #tpu.memory_space<vmem>> -> memref<1x8x1024xf32, #tpu.memory_space<vmem>>
    %dma_wait3A_232 = tpu.memref_squeeze %dma_wait3A_231 : memref<1x8x1024xf32, #tpu.memory_space<vmem>> -> memref<8x1024xf32, #tpu.memory_space<vmem>>
    %dma_wait3A_233 = arith.constant 0 : i32
    %dma_wait3A_234 = tpu.memref_slice %arg4[%add3A_227, %dma_wait3A_233] : memref<32768x1024xf32, #tpu.memory_space<hbm>> -> memref<8x1024xf32, #tpu.memory_space<hbm>>
    %dma_wait3A_235 = arith.constant 0 : i32
    %dma_wait3A_236 = tpu.memref_slice %arg4[%add3A_227, %dma_wait3A_235] : memref<32768x1024xf32, #tpu.memory_space<hbm>> -> memref<8x1024xf32, #tpu.memory_space<hbm>>
    %dma_wait3A_237 = arith.constant 0 : i32
    %dma_wait3A_238 = arith.constant 0 : i32
    %dma_wait3A_239 = tpu.memref_slice %arg6[%dma_wait3A_228, %dma_wait3A_237, %dma_wait3A_238] : memref<8x8x1024xf32, #tpu.memory_space<vmem>> -> memref<1x8x1024xf32, #tpu.memory_space<vmem>>
    %dma_wait3A_240 = tpu.memref_squeeze %dma_wait3A_239 : memref<1x8x1024xf32, #tpu.memory_space<vmem>> -> memref<8x1024xf32, #tpu.memory_space<vmem>>
    tpu.wait_dma2 semaphore(%arg18 : memref<!tpu.dma_semaphore, #tpu.memory_space<semaphore_mem>>) src(%dma_wait3A_240 : memref<8x1024xf32, #tpu.memory_space<vmem>>) dst(%dma_wait3A_236 : memref<8x1024xf32, #tpu.memory_space<hbm>>)
    %add3A_241 = arith.constant 992 : i32
    %add3A_242 = arith.addi %mul3A_2, %add3A_241 : i32
    %dma_wait3A_243 = arith.constant 4 : i32
    %dma_wait3A_244 = arith.constant 0 : i32
    %dma_wait3A_245 = arith.constant 0 : i32
    %dma_wait3A_246 = tpu.memref_slice %arg6[%dma_wait3A_243, %dma_wait3A_244, %dma_wait3A_245] : memref<8x8x1024xf32, #tpu.memory_space<vmem>> -> memref<1x8x1024xf32, #tpu.memory_space<vmem>>
    %dma_wait3A_247 = tpu.memref_squeeze %dma_wait3A_246 : memref<1x8x1024xf32, #tpu.memory_space<vmem>> -> memref<8x1024xf32, #tpu.memory_space<vmem>>
    %dma_wait3A_248 = arith.constant 0 : i32
    %dma_wait3A_249 = tpu.memref_slice %arg4[%add3A_242, %dma_wait3A_248] : memref<32768x1024xf32, #tpu.memory_space<hbm>> -> memref<8x1024xf32, #tpu.memory_space<hbm>>
    %dma_wait3A_250 = arith.constant 0 : i32
    %dma_wait3A_251 = tpu.memref_slice %arg4[%add3A_242, %dma_wait3A_250] : memref<32768x1024xf32, #tpu.memory_space<hbm>> -> memref<8x1024xf32, #tpu.memory_space<hbm>>
    %dma_wait3A_252 = arith.constant 0 : i32
    %dma_wait3A_253 = arith.constant 0 : i32
    %dma_wait3A_254 = tpu.memref_slice %arg6[%dma_wait3A_243, %dma_wait3A_252, %dma_wait3A_253] : memref<8x8x1024xf32, #tpu.memory_space<vmem>> -> memref<1x8x1024xf32, #tpu.memory_space<vmem>>
    %dma_wait3A_255 = tpu.memref_squeeze %dma_wait3A_254 : memref<1x8x1024xf32, #tpu.memory_space<vmem>> -> memref<8x1024xf32, #tpu.memory_space<vmem>>
    tpu.wait_dma2 semaphore(%arg19 : memref<!tpu.dma_semaphore, #tpu.memory_space<semaphore_mem>>) src(%dma_wait3A_255 : memref<8x1024xf32, #tpu.memory_space<vmem>>) dst(%dma_wait3A_251 : memref<8x1024xf32, #tpu.memory_space<hbm>>)
    %add3A_256 = arith.constant 1000 : i32
    %add3A_257 = arith.addi %mul3A_2, %add3A_256 : i32
    %dma_wait3A_258 = arith.constant 5 : i32
    %dma_wait3A_259 = arith.constant 0 : i32
    %dma_wait3A_260 = arith.constant 0 : i32
    %dma_wait3A_261 = tpu.memref_slice %arg6[%dma_wait3A_258, %dma_wait3A_259, %dma_wait3A_260] : memref<8x8x1024xf32, #tpu.memory_space<vmem>> -> memref<1x8x1024xf32, #tpu.memory_space<vmem>>
    %dma_wait3A_262 = tpu.memref_squeeze %dma_wait3A_261 : memref<1x8x1024xf32, #tpu.memory_space<vmem>> -> memref<8x1024xf32, #tpu.memory_space<vmem>>
    %dma_wait3A_263 = arith.constant 0 : i32
    %dma_wait3A_264 = tpu.memref_slice %arg4[%add3A_257, %dma_wait3A_263] : memref<32768x1024xf32, #tpu.memory_space<hbm>> -> memref<8x1024xf32, #tpu.memory_space<hbm>>
    %dma_wait3A_265 = arith.constant 0 : i32
    %dma_wait3A_266 = tpu.memref_slice %arg4[%add3A_257, %dma_wait3A_265] : memref<32768x1024xf32, #tpu.memory_space<hbm>> -> memref<8x1024xf32, #tpu.memory_space<hbm>>
    %dma_wait3A_267 = arith.constant 0 : i32
    %dma_wait3A_268 = arith.constant 0 : i32
    %dma_wait3A_269 = tpu.memref_slice %arg6[%dma_wait3A_258, %dma_wait3A_267, %dma_wait3A_268] : memref<8x8x1024xf32, #tpu.memory_space<vmem>> -> memref<1x8x1024xf32, #tpu.memory_space<vmem>>
    %dma_wait3A_270 = tpu.memref_squeeze %dma_wait3A_269 : memref<1x8x1024xf32, #tpu.memory_space<vmem>> -> memref<8x1024xf32, #tpu.memory_space<vmem>>
    tpu.wait_dma2 semaphore(%arg20 : memref<!tpu.dma_semaphore, #tpu.memory_space<semaphore_mem>>) src(%dma_wait3A_270 : memref<8x1024xf32, #tpu.memory_space<vmem>>) dst(%dma_wait3A_266 : memref<8x1024xf32, #tpu.memory_space<hbm>>)
    %add3A_271 = arith.constant 1008 : i32
    %add3A_272 = arith.addi %mul3A_2, %add3A_271 : i32
    %dma_wait3A_273 = arith.constant 6 : i32
    %dma_wait3A_274 = arith.constant 0 : i32
    %dma_wait3A_275 = arith.constant 0 : i32
    %dma_wait3A_276 = tpu.memref_slice %arg6[%dma_wait3A_273, %dma_wait3A_274, %dma_wait3A_275] : memref<8x8x1024xf32, #tpu.memory_space<vmem>> -> memref<1x8x1024xf32, #tpu.memory_space<vmem>>
    %dma_wait3A_277 = tpu.memref_squeeze %dma_wait3A_276 : memref<1x8x1024xf32, #tpu.memory_space<vmem>> -> memref<8x1024xf32, #tpu.memory_space<vmem>>
    %dma_wait3A_278 = arith.constant 0 : i32
    %dma_wait3A_279 = tpu.memref_slice %arg4[%add3A_272, %dma_wait3A_278] : memref<32768x1024xf32, #tpu.memory_space<hbm>> -> memref<8x1024xf32, #tpu.memory_space<hbm>>
    %dma_wait3A_280 = arith.constant 0 : i32
    %dma_wait3A_281 = tpu.memref_slice %arg4[%add3A_272, %dma_wait3A_280] : memref<32768x1024xf32, #tpu.memory_space<hbm>> -> memref<8x1024xf32, #tpu.memory_space<hbm>>
    %dma_wait3A_282 = arith.constant 0 : i32
    %dma_wait3A_283 = arith.constant 0 : i32
    %dma_wait3A_284 = tpu.memref_slice %arg6[%dma_wait3A_273, %dma_wait3A_282, %dma_wait3A_283] : memref<8x8x1024xf32, #tpu.memory_space<vmem>> -> memref<1x8x1024xf32, #tpu.memory_space<vmem>>
    %dma_wait3A_285 = tpu.memref_squeeze %dma_wait3A_284 : memref<1x8x1024xf32, #tpu.memory_space<vmem>> -> memref<8x1024xf32, #tpu.memory_space<vmem>>
    tpu.wait_dma2 semaphore(%arg21 : memref<!tpu.dma_semaphore, #tpu.memory_space<semaphore_mem>>) src(%dma_wait3A_285 : memref<8x1024xf32, #tpu.memory_space<vmem>>) dst(%dma_wait3A_281 : memref<8x1024xf32, #tpu.memory_space<hbm>>)
    %add3A_286 = arith.constant 1016 : i32
    %add3A_287 = arith.addi %mul3A_2, %add3A_286 : i32
    %dma_wait3A_288 = arith.constant 7 : i32
    %dma_wait3A_289 = arith.constant 0 : i32
    %dma_wait3A_290 = arith.constant 0 : i32
    %dma_wait3A_291 = tpu.memref_slice %arg6[%dma_wait3A_288, %dma_wait3A_289, %dma_wait3A_290] : memref<8x8x1024xf32, #tpu.memory_space<vmem>> -> memref<1x8x1024xf32, #tpu.memory_space<vmem>>
    %dma_wait3A_292 = tpu.memref_squeeze %dma_wait3A_291 : memref<1x8x1024xf32, #tpu.memory_space<vmem>> -> memref<8x1024xf32, #tpu.memory_space<vmem>>
    %dma_wait3A_293 = arith.constant 0 : i32
    %dma_wait3A_294 = tpu.memref_slice %arg4[%add3A_287, %dma_wait3A_293] : memref<32768x1024xf32, #tpu.memory_space<hbm>> -> memref<8x1024xf32, #tpu.memory_space<hbm>>
    %dma_wait3A_295 = arith.constant 0 : i32
    %dma_wait3A_296 = tpu.memref_slice %arg4[%add3A_287, %dma_wait3A_295] : memref<32768x1024xf32, #tpu.memory_space<hbm>> -> memref<8x1024xf32, #tpu.memory_space<hbm>>
    %dma_wait3A_297 = arith.constant 0 : i32
    %dma_wait3A_298 = arith.constant 0 : i32
    %dma_wait3A_299 = tpu.memref_slice %arg6[%dma_wait3A_288, %dma_wait3A_297, %dma_wait3A_298] : memref<8x8x1024xf32, #tpu.memory_space<vmem>> -> memref<1x8x1024xf32, #tpu.memory_space<vmem>>
    %dma_wait3A_300 = tpu.memref_squeeze %dma_wait3A_299 : memref<1x8x1024xf32, #tpu.memory_space<vmem>> -> memref<8x1024xf32, #tpu.memory_space<vmem>>
    tpu.wait_dma2 semaphore(%arg22 : memref<!tpu.dma_semaphore, #tpu.memory_space<semaphore_mem>>) src(%dma_wait3A_300 : memref<8x1024xf32, #tpu.memory_space<vmem>>) dst(%dma_wait3A_296 : memref<8x1024xf32, #tpu.memory_space<hbm>>)
    return
  }
}

</mosaic_0001>

<sc_bundles>
// kernel: kernel.3.cloned.1.call-start
scs
__scs_entry_jumppad:
0x0: {  	(pc) =	sbr.rel $0x88, $3  }
0x1: {  	(tag) =	ssettag $0x0;
	lr =	simm.s32 $0x1  }
0x2: {  	[smem:$0x3F9F] =	sst lr;
	_ =	strace $0xD0000000  }
0x3: {  	_ = 	snop  }
0x4: {  	_ = 	snop  }
0x5: {  	_ = 	snop  }
0x6: {  	_ = 	snop  }
0x7: {  	_ = 	snop  }
__scs_overlays_trampoline_lowered:
0x8: {  	[smem:$0x3FAE] =	sst s0  }
0x9: {  	[smem:$0x3FAF] =	sst s1  }
0xa: {  	[smem:$0x3FB0] =	sst s2  }
0xb: {  	[smem:$0x3FB1] =	sst s3  }
0xc: {  	[smem:$0x3FB2] =	sst s4  }
0xd: {  	[smem:$0x3FB3] =	sst s5  }
0xe: {  	[smem:$0x3FB4] =	sst s6  }
0xf: {  	[smem:$0x3FB5] =	sst s7  }
0x10: {  	[smem:$0x3FB6] =	sst s8  }
0x11: {  	[smem:$0x3FB7] =	sst s9;
	s0 =	simm.s32 @!p0 $0x0  }
0x12: {  	s1 =	sld [smem:$0x3F9D];
	s0 =	simm.s32 @p0 $0x1  }
0x13: {  	[smem:$0x3FB8] =	sst s0;
	s0 =	simm.s32 @!p1 $0x0  }
0x14: {  	s2 =	sld [smem:$0x3F9C];
	s0 =	simm.s32 @p1 $0x1  }
0x15: {  	[smem:$0x3FB9] =	sst s0;
	s0 =	simm.s32 @!p2 $0x0  }
0x16: {  	s3 =	sld [smem:$0x3FDB];
	s0 =	simm.s32 @p2 $0x1  }
0x17: {  	s4 =	simm.s32 $0x1BF5;
	[smem:$0x3FBB] =	sst s0  }
0x18: {  	s0 =	sld [smem:$0x3F9E];
	_ =	swait.ge [sflag:s4], $0x0  }
0x19: {  	s7 =	sld [smem:$0x3F9F]  }
0x1a: {  	s8 =	sadd.s32 $0xFFFFE003, lr  }
0x1b: {  	s9 =	sadd.s32 $0xFFFFFEF7, lr;
	s5 =	simm.s32 $0xFFFFFFFF;
	p2 =	slt.u32 s8, $0xFFFFF086  }
0x1c: {  	p1 =	slt.u32 s9, $0xF7A;
	s5 =	simm.s32 @!p2 $0x0  }
0x1d: {  	s5 =	simm.s32 @p1 $0x1;
	p0 =	seq.s32 s7, s2  }
0x1e: {  	s7 =	smul.u32 @!p0 $0xF7A, s2;
	p2 =	seq.s32 @!p0 s5, $0x0  }
0x1f: {  	s9 =	smul.u32 $0xF7A, s1;
	s8 =	simm.s32 @!p0 $0x1BF5;
	p2 =	por !p2, p0  }
0x20: {  	[sflag:s8] =	ssyncset.s32 @!p0 $0xFFFFF086;
	s6 =	sadd.s32 @!p0 s3, s7;
	s7 =	simm.s32 @!p0 $0x108  }
0x21: {  	s3 =	sadd.s32 s3, s9;
	s6 =	sadd.s32 @!p0 $0x88, s6;
	s7 =	simm.s32 @p2 $0x1082  }
0x22: {  	[simem:s7], [sflag:s8] =	dma.local @!p0 [hbm:s6], $0xF7A  }
0x23: {  	s9 =	sor.u32 $0xD0000000, s2;
	s6 =	simm.s32 $0x108;
	_ =	swait.ge @!p0 [sflag:s8], $0x0  }
0x24: {  	s3 =	sadd.s32 $0x88, s3;
	s6 =	simm.s32 @!p1 $0x1082;
	[sflag:s4] =	ssyncset.s32 $0xFFFFF086  }
0x25: {  	[simem:s6], [sflag:s4] =	dma.local [hbm:s3], $0xF7A  }
0x26: {  	[smem:$0x3F9F] =	sst s1;
	(tag) =	ssettag s2;
	_ =	strace s9  }
0x27: {  	s1 =	sld [smem:$0x3FAF]  }
0x28: {  	s2 =	sld [smem:$0x3FB0]  }
0x29: {  	s4 =	sld [smem:$0x3FB2]  }
0x2a: {  	p0 =	seq.s32 s5, $0x0;
	s5 =	sld [smem:$0x3FB3]  }
0x2b: {  	s6 =	sld [smem:$0x3FB4]  }
0x2c: {  	s7 =	sld [smem:$0x3FB5]  }
0x2d: {  	s3 =	simm.s32 $0x108;
	s8 =	sld [smem:$0x3FB6]  }
0x2e: {  	s3 =	simm.s32 @!p0 $0x1082;
	s9 =	sld [smem:$0x3FB7]  }
0x2f: {  	lr =	sadd.s32 s0, s3;
	s0 =	sld [smem:$0x3FAE]  }
0x30: {  	s3 =	sld [smem:$0x3FB1]  }
0x31: {  	[smem:$0x3FBA] =	sst s10  }
0x32: {  	s10 =	sld [smem:$0x3FB8];
	_ =	sdelay $0x3  }
0x33: {  	p0 =	seq.s32 s10, $0x1;
	s10 =	sld [smem:$0x3FBA];
	_ =	sdelay $0x3  }
0x34: {  	[smem:$0x3FBA] =	sst s10  }
0x35: {  	s10 =	sld [smem:$0x3FB9];
	_ =	sdelay $0x3  }
0x36: {  	p1 =	seq.s32 s10, $0x1;
	s10 =	sld [smem:$0x3FBA];
	_ =	sdelay $0x3  }
0x37: {  	[smem:$0x3FBA] =	sst s10  }
0x38: {  	s10 =	sld [smem:$0x3FBB]  }
0x39: {  	_ = 	snop;
	(pc) =	sbr.ind lr, $3  }
0x3a: {  	_ = 	snop  }
0x3b: {  	_ = 	snop  }
0x3c: {  	p2 =	seq.s32 s10, $0x1;
	s10 =	sld [smem:$0x3FBA]  }
0x3d: {  	_ =	shalt  }
0x3e: {  	_ =	shalt  }
0x3f: {  	_ =	shalt  }
0x40: {  	_ =	shalt  }
0x41: {  	_ =	shalt  }
0x42: {  	_ =	shalt  }
0x43: {  	_ =	shalt  }
0x44: {  	_ =	shalt  }
0x45: {  	_ =	shalt  }
0x46: {  	_ =	shalt  }
0x47: {  	_ =	shalt  }
0x48: {  	_ =	shalt  }
0x49: {  	_ =	shalt  }
0x4a: {  	_ =	shalt  }
0x4b: {  	_ =	shalt  }
0x4c: {  	_ =	shalt  }
0x4d: {  	_ =	shalt  }
0x4e: {  	_ =	shalt  }
0x4f: {  	_ =	shalt  }
0x50: {  	_ =	shalt  }
0x51: {  	_ =	shalt  }
0x52: {  	_ =	shalt  }
0x53: {  	_ =	shalt  }
0x54: {  	_ =	shalt  }
0x55: {  	_ =	shalt  }
0x56: {  	_ =	shalt  }
0x57: {  	_ =	shalt  }
0x58: {  	_ =	shalt  }
0x59: {  	_ =	shalt  }
0x5a: {  	_ =	shalt  }
0x5b: {  	_ =	shalt  }
0x5c: {  	_ =	shalt  }
0x5d: {  	_ =	shalt  }
0x5e: {  	_ =	shalt  }
0x5f: {  	_ =	shalt  }
0x60: {  	_ =	shalt  }
0x61: {  	_ =	shalt  }
0x62: {  	_ =	shalt  }
0x63: {  	_ =	shalt  }
0x64: {  	_ =	shalt  }
0x65: {  	_ =	shalt  }
0x66: {  	_ =	shalt  }
0x67: {  	_ =	shalt  }
0x68: {  	_ =	shalt  }
0x69: {  	_ =	shalt  }
0x6a: {  	_ =	shalt  }
0x6b: {  	_ =	shalt  }
0x6c: {  	_ =	shalt  }
0x6d: {  	_ =	shalt  }
0x6e: {  	_ =	shalt  }
0x6f: {  	_ =	shalt  }
0x70: {  	_ =	shalt  }
0x71: {  	_ =	shalt  }
0x72: {  	_ =	shalt  }
0x73: {  	_ =	shalt  }
0x74: {  	_ =	shalt  }
0x75: {  	_ =	shalt  }
0x76: {  	_ =	shalt  }
0x77: {  	_ =	shalt  }
0x78: {  	_ =	shalt  }
0x79: {  	_ =	shalt  }
0x7a: {  	_ =	shalt  }
0x7b: {  	_ =	shalt  }
0x7c: {  	_ =	shalt  }
0x7d: {  	_ =	shalt  }
0x7e: {  	_ =	shalt  }
0x7f: {  	_ =	shalt  }
0x80: {  	_ =	shalt  }
0x81: {  	_ =	shalt  }
0x82: {  	_ =	shalt  }
0x83: {  	_ =	shalt  }
0x84: {  	_ =	shalt  }
0x85: {  	_ =	shalt  }
0x86: {  	_ =	shalt  }
0x87: {  	_ =	shalt  }
.Lfunc_end0:
.L_simem_size_0:
called_computation_lowered:
.L_overlay_start_0:
0x88: {  	s2 =	sld [smem:$0x3FD9]  }
0x89: {  	s3 =	sld [smem:$0x3FFE];
	_ =	sdelay $0x1  }
0x8a: {  	s1 =	srdreg.scid  }
0x8b: {  	s0 =	sand.u32 $0x1, s1  }
0x8c: {  	s17 =	sshll.u32 s0, $0xA;
	s2 =	sadd.s32 s3, s2  }
0x8d: {  	s2 =	sadd.s32 s2, s17  }
0x8e: {  	[smem:$0x3FC6] =	sst s2  }
0x8f: {  	_ = 	snop  }
0x90: {  	s2 =	sld [smem:$0x3FC8]  }
0x91: {  	s18 =	sld [smem:$0x3FD0];
	(tm) =	ssettm $0x1  }
0x92: {  	s4 =	sld [smem:$0x3FFB];
	_ =	sdelay $0x3  }
0x93: {  	_ =	strace s4  }
0x94: {  	s4 =	sld [smem:$0x3FFC];
	_ =	sdelay $0x3  }
0x95: {  	_ =	strace s4  }
0x96: {  	s4 =	sld [smem:$0x3FFD];
	_ =	sdelay $0x3  }
0x97: {  	_ =	strace s4  }
0x98: {  	_ =	strace $0x8FFFFFFF  }
0x99: {  	s19 =	sld [smem:$0x3FDB];
	_ =	sdelay $0x1  }
0x9a: {  	s5 =	simm.s32 $_scs_section_size  }
0x9b: {  	s6 =	simm.s32 $_size__tile_overlayer_lowered;
	s7 =	simm.s32 $_tile_overlayer_lowered  }
0x9c: {  	s22 =	simm.s32 $0x1BFF;
	s21 =	sshll.u32 s7, $0x1;
	s4 =	sadd.s32 s5, s19  }
0x9d: {  	s8 =	simm.s32 $0x0;
	s20 =	sshll.u32 s6, $0x1;
	s6 =	sadd.s32 s21, s4  }
0x9e: {  	[timem:s8], [sflag:s22] =	dma.local [hbm:s6], s20  }
0x9f: {  	_ =	swait.ge [sflag:s22], s20  }
0xa0: {  	s5 =	ssub.s32 $0x0, s20;
	[sflag:s22] =	ssyncset.done $0x0  }
0xa1: {  	[sflag:s22] =	ssyncadd.s32 s5;
	_ =	sdelay $0x1  }
0xa2: {  	s23 =	simm.s32 $0x1B8B  }
0xa3: {  	_ =	swait.ge [sflag:s23], $0x1  }
0xa4: {  	[sflag:s23] =	ssyncset.done $0x0  }
0xa5: {  	s25 =	simm.s32 $0x1B8E;
	s24 =	sld [smem:$0x3FFE];
	[sflag:s23] =	ssyncadd.s32 $0xFFFFFFFF  }
0xa6: {  	s26 =	simm.s32 $execute0_lowered;
	[smem:$0x3FD2] =	sst s25  }
0xa7: {  	s6 =	sshll.u32 s26, $0x1;
	_ =	strace $0x80000046;
	[dreg:$0x1] =	wrdreg $0xFFFFFFFF  }
0xa8: {  	s28 =	simm.s32 $_size_execute0_lowered;
	s4 =	sadd.s32 s4, s6;
	[dreg:$0x0] =	wrdreg $0x0  }
0xa9: {  	s6 =	sshll.u32 s28, $0x1;
	[dreg:$0x2] =	wrdreg s4  }
0xaa: {  	[dreg:$0x3] =	wrdreg s6  }
0xab: {  	[dreg:$0x4] =	wrdreg $0xC0  }
0xac: {  	_ =	task [dreg:s8], $0x5FFFF  }
0xad: {  	[dreg:$0x1] =	wrdreg $0xFFFFFFFF  }
0xae: {  	[dreg:$0x0] =	wrdreg $0x60  }
0xaf: {  	[dreg:$0x2] =	wrdreg s2  }
0xb0: {  	[dreg:$0x3] =	wrdreg s24  }
0xb1: {  	[dreg:$0x4] =	wrdreg s18  }
0xb2: {  	[dreg:$0x5] =	wrdreg $0x9  }
0xb3: {  	_ =	task.clear_ibuf [dreg:s8], $0x6FFFF;
	_ =	strace $0x90000046  }
0xb4: {  	s29 =	simm.s32 $0x9;
	_ =	strace $0x80000048  }
0xb5: {  	_ =	swait.ge [sflag:s29], $0x1  }
0xb6: {  	[sflag:s29] =	ssyncadd.s32 $0xFFFFFFFF  }
0xb7: {  	_ =	strace $0x90000048  }
0xb8: {  	_ =	sfence  }
0xb9: {  	s30 =	sld [smem:$0x0];
	_ =	sdelay $0x2  }
0xba: {  	s31 =	sshll.u32 s1, $0xD;
	s1 =	sshrl.u32 s1, $0x2  }
0xbb: {  	s3 =	sand.u32 $0x4000, s31;
	s1 =	sadd.s32 s1, s30  }
0xbc: {  	s0 =	sor.u32 s3, s0;
	s1 =	sshll.u32 s1, $0x11  }
0xbd: {  	s0 =	sor.u32 s1, s0  }
0xbe: {  	s0 =	sadd.s32 $0x8F2B, s0  }
0xbf: {  	[sflag:s0] =	ssyncadd.remote.s32 $0x1  }
0xc0: {  	_ =	sfence.sel $0xFFFF  }
0xc1: {  	[dreg:$0x0] =	wrdreg $0xFFFFFFFF;
	(pc) =	sbr.abs _section_cstart, $3  }
0xc2: {  	[dreg:$0x1] =	wrdreg $0xFFFFFFFF  }
0xc3: {  	_ =	task.clear_ibuf [dreg:s8], $0x2FFFF;
	_ =	strace $0x9FFFFFFF  }
0xc4: {  	(tm) =	ssettm $0x7FFFFFFF  }
0xc5: {  	_ =	shalt  }
tec
execute0_lowered:
.L_overlay_start_1:
0x0: {  	(tag) =	ssettag $0x1  }
0x1: {  	s1 =	rddreg [dreg:$0x0]  }
0x2: {  	s2 =	rddreg [dreg:$0x1]  }
0x3: {  	s4 =	rddreg [dreg:$0x2];
	s3 =	simm.s32 $0x0  }
0x4: {  	s19 =	simm.s32 $0xC00;
	[smem:$0x7FF] =	sst s3  }
0x5: {  	s20 =	simm.s32 $0x1400;
	_ =	strace $0x80000047;
	[dreg:$0x4] =	wrdreg s19  }
0x6: {  	s21 =	simm.s32 $0x1C00;
	[dreg:$0x5] =	wrdreg s20  }
0x7: {  	s22 =	simm.s32 $0x2C00;
	[dreg:$0x6] =	wrdreg s21  }
0x8: {  	s23 =	simm.s32 $0x3400;
	[dreg:$0x7] =	wrdreg s22  }
0x9: {  	s0 =	srdreg.scid;
	s24 =	simm.s32 $0x3C00;
	[dreg:$0x8] =	wrdreg s23  }
0xa: {  	s10 =	stileid.u32;
	s25 =	simm.s32 $0x4C00;
	[dreg:$0x9] =	wrdreg s24  }
0xb: {  	s28 =	simm.s32 $0x5400;
	s30 =	simm.s32 $0x5C00;
	[dreg:$0xa] =	wrdreg s25  }
0xc: {  	s12 =	simm.s32 $0x6C00;
	s14 =	simm.s32 $0x7400;
	[dreg:$0xb] =	wrdreg s28  }
0xd: {  	s16 =	simm.s32 $0x7C00;
	s0 =	sand.u32 $0x1, s0;
	[dreg:$0xc] =	wrdreg s30  }
0xe: {  	s5 =	sshll.u32 s10, $0xB;
	s7 =	sadd.s32 $0x300, s1;
	[dreg:$0xd] =	wrdreg s12  }
0xf: {  	s6 =	sshll.u32 s0, $0xA;
	s17 =	ssub.s32 $0x2, s0;
	[dreg:$0xe] =	wrdreg s14  }
0x10: {  	[dreg:$0xf] =	wrdreg s16;
	s19 =	simm.s32 $0x9400;
	s20 =	sshll.u32 s10, $0x12  }
0x11: {  	s21 =	simm.s32 $0x9C00;
	s22 =	simm.s32 $0xAC00;
	s0 =	sshll.u32 s0, $0x11  }
0x12: {  	s23 =	simm.s32 $0xB400;
	s24 =	simm.s32 $0xBC00;
	[dreg:$0x11] =	wrdreg s19  }
0x13: {  	s25 =	simm.s32 $0xCC00;
	s28 =	simm.s32 $0xDC00;
	[dreg:$0x12] =	wrdreg s21  }
0x14: {  	s30 =	simm.s32 $0xF400;
	s10 =	simm.s32 $0xB;
	[dreg:$0x13] =	wrdreg s22  }
0x15: {  	s12 =	simm.s32 $0xD;
	s14 =	simm.s32 $0xF;
	[dreg:$0x14] =	wrdreg s23  }
0x16: {  	s8 =	sor.u32 s6, s5;
	s18 =	sshrl.u32 s17, $0x1;
	[dreg:$0x15] =	wrdreg s24  }
0x17: {  	s6 =	sadd.s32 $0x200, s1;
	[dreg:$0x16] =	wrdreg s25;
	s19 =	simm.s32 $0x2400  }
0x18: {  	[dreg:$0x18] =	wrdreg s28;
	s21 =	simm.s32 $0x6400;
	s22 =	simm.s32 $0x8400  }
0x19: {  	[dreg:$0x1a] =	wrdreg s30;
	s23 =	simm.s32 $0xA400;
	s24 =	simm.s32 $0xC400  }
0x1a: {  	s25 =	simm.s32 $0xE400;
	s5 =	sshrl.u32 s8, $0x3;
	s9 =	ssub.s32 s17, s18  }
0x1b: {  	s8 =	sshll.u32 s8, $0x7;
	s17 =	simm.s32 $0x8C00;
	s2 =	sadd.s32 s5, s2  }
0x1c: {  	s5 =	sadd.s32 $0x100, s1;
	s18 =	smax.u32 s9, $0x1;
	[dreg:$0x10] =	wrdreg s17  }
0x1d: {  	s8 =	sadd.s32 s8, s4;
	s2 =	sadd.s32 $0x400, s2;
	[smem:$0x7FD] =	sst s18  }
0x1e: {  	s4 =	sadd.s32 s20, s4;
	s11 =	sadd.s32 $0x1E400, s8;
	[dreg:$0x1c] =	wrdreg s2  }
0x1f: {  	s20 =	simm.s32 $0x4400;
	s26 =	sadd.s32 $0x1E800, s8;
	[dreg:$0x1d] =	wrdreg s11  }
0x20: {  	s9 =	simm.s32 $0xA;
	s29 =	sadd.s32 $0x1EC00, s8;
	[dreg:$0x1e] =	wrdreg s26  }
0x21: {  	s17 =	simm.s32 $0x0;
	s31 =	sadd.s32 $0x1F000, s8;
	[dreg:$0x1f] =	wrdreg s29  }
0x22: {  	s13 =	sadd.s32 $0x1F400, s8;
	s15 =	sadd.s32 $0x1F800, s8;
	[smem:$0x7F9] =	sst s31  }
0x23: {  	s8 =	sadd.s32 $0x1FC00, s8;
	s16 =	sadd.s32 s0, s4;
	[smem:$0x7FA] =	sst s13  }
0x24: {  	s18 =	simm.s32 $0x400;
	s4 =	simm.s32 $0x8;
	[smem:$0x7FB] =	sst s15  }
0x25: {  	[smem:$0x7FC] =	sst s8;
	s26 =	simm.s32 $0xD400;
	s29 =	simm.s32 $0xEC00  }
0x26: {  	v0 =	vlaneseq.u32;
	s31 =	simm.s32 $0xFC00;
	s8 =	simm.s32 $0x9;
	[dreg:$0x17] =	wrdreg s26  }
0x27: {  	v1 =	vshrl.u32 v0, $0x3;
	s11 =	simm.s32 $0xC;
	s13 =	simm.s32 $0xE;
	[dreg:$0x19] =	wrdreg s29  }
0x28: {  	vm0 =	vmmov $0xffff;
	v0 =	vand.u32 $0x7, v0;
	v1 =	vmul.u32 $0x8, v1;
	s15 =	simm.s32 $0x10;
	[dreg:$0x1b] =	wrdreg s31;
	s26 =	simm.s32 $0x1  }
.LBB2_1:
0x29: {  	s0 =	rddreg [dreg:$0x1c];
	s31 =	simm.s32 $0x11  }
0x2a: {  	[tilespmem:s3], [sflag:$0x11] =	stream.linear.gather [hbm4b:s0+s3], $0x400, $0x38;
	[tilespmem:$0x10400] =	vst v63  }
0x2b: {  	_ =	swait.ge [sflag:s31], $0x400  }
0x2c: {  	[sflag:s31] =	ssyncset.done $0x0  }
0x2d: {  	s28 =	simm.s32 $0x20;
	s29 =	simm.s32 $0x0;
	[sflag:s31] =	ssyncadd.s32 $0xFFFFFC00  }
.LBB2_2:
0x2e: {  	p0 =	seq.s32 s29, $0x0  }
0x2f: {  	s30 =	simm.s32 @!p0 $0x9  }
0x30: {  	_ =	swait.ge @!p0 [sflag:s30], $0x2000  }
0x31: {  	[sflag:s30] =	ssyncset.done @!p0 $0x0  }
0x32: {  	[sflag:s30] =	ssyncadd.s32 @!p0 $0xFFFFE000  }
0x33: {  	v2 =	vld.msk [tilespmem:s28+$0xFFFFFFE0], $0xff;
	_ =	sdelay $0x4  }
0x34: {  	v3 =	vshll.u32 v2, $0x3  }
0x35: {  	v2 =	vand.u32 $0x7, v2;
	v3 =	vand.u32 $0xFFFFFFC0, v3  }
0x36: {  	v2 =	vor.u32 v2, v3  }
0x37: {  	v2 =	vperm.xlane v2, v0;
	_ =	sdelay $0x1  }
0x38: {  	v2 =	vadd.s32 v1, v2;
	_ =	sdelay $0x4  }
0x39: {  	[tilespmem:s18], [sflag:$0x1] =	stream.indirect_vreg.gather [hbm4b:s1+s3], $0x80, v2, vm0, $0xb8;
	[tilespmem:$0x10400] =	vst v63  }
0x3a: {  	s0 =	rddreg [dreg:$0x4]  }
0x3b: {  	[tilespmem:s0], [sflag:$0x1] =	stream.indirect_vreg.gather [hbm4b:s5+s3], $0x80, v2, vm0, $0xb8;
	[tilespmem:$0x10400] =	vst v63  }
0x3c: {  	s31 =	rddreg [dreg:$0x5]  }
0x3d: {  	[tilespmem:s31], [sflag:$0x1] =	stream.indirect_vreg.gather [hbm4b:s6+s3], $0x80, v2, vm0, $0xb8;
	[tilespmem:$0x10400] =	vst v63  }
0x3e: {  	s2 =	rddreg [dreg:$0x6];
	s30 =	simm.s32 @!p0 $0x2  }
0x3f: {  	[tilespmem:s2], [sflag:$0x1] =	stream.indirect_vreg.gather [hbm4b:s7+s3], $0x80, v2, vm0, $0xb8;
	[tilespmem:$0x10400] =	vst v63  }
0x40: {  	_ =	swait.ge @!p0 [sflag:s30], $0x2000  }
0x41: {  	[sflag:s30] =	ssyncset.done @!p0 $0x0  }
0x42: {  	[sflag:s30] =	ssyncadd.s32 @!p0 $0xFFFFE000;
	s30 =	sadd.s32 @!p0 s29, s16  }
0x43: {  	s0 =	simm.s32 @!p0 $0x2400;
	s31 =	simm.s32 @!p0 $0x0;
	s2 =	sadd.s32 @!p0 $0xFFFFE400, s30  }
0x44: {  	[hbm4b:s2+s31] =	stream.linear.scatter @!p0 [tilespmem:s0], [sflag:$0xA], $0x2000, $0x38;
	[tilespmem:$0x10400] =	vst v63  }
0x45: {  	s0 =	simm.s32 @!p0 $0xA  }
0x46: {  	_ =	swait.ge @!p0 [sflag:s0], $0x2000  }
0x47: {  	[sflag:s0] =	ssyncset.done @!p0 $0x0  }
0x48: {  	[sflag:s0] =	ssyncadd.s32 @!p0 $0xFFFFE000  }
0x49: {  	v2 =	vld.msk [tilespmem:s28+$0xFFFFFFE8], $0xff;
	_ =	sdelay $0x4  }
0x4a: {  	v3 =	vshll.u32 v2, $0x3  }
0x4b: {  	v2 =	vand.u32 $0x7, v2;
	v3 =	vand.u32 $0xFFFFFFC0, v3  }
0x4c: {  	v2 =	vor.u32 v2, v3  }
0x4d: {  	v2 =	vperm.xlane v2, v0;
	_ =	sdelay $0x1  }
0x4e: {  	v2 =	vadd.s32 v1, v2;
	_ =	sdelay $0x4  }
0x4f: {  	[tilespmem:s19], [sflag:$0x2] =	stream.indirect_vreg.gather [hbm4b:s1+s3], $0x80, v2, vm0, $0xb8;
	[tilespmem:$0x10400] =	vst v63  }
0x50: {  	s0 =	rddreg [dreg:$0x7]  }
0x51: {  	[tilespmem:s0], [sflag:$0x2] =	stream.indirect_vreg.gather [hbm4b:s5+s3], $0x80, v2, vm0, $0xb8;
	[tilespmem:$0x10400] =	vst v63  }
0x52: {  	s2 =	rddreg [dreg:$0x8]  }
0x53: {  	[tilespmem:s2], [sflag:$0x2] =	stream.indirect_vreg.gather [hbm4b:s6+s3], $0x80, v2, vm0, $0xb8;
	[tilespmem:$0x10400] =	vst v63  }
0x54: {  	s0 =	rddreg [dreg:$0x9]  }
0x55: {  	[tilespmem:s0], [sflag:$0x2] =	stream.indirect_vreg.gather [hbm4b:s7+s3], $0x80, v2, vm0, $0xb8;
	[tilespmem:$0x10400] =	vst v63  }
0x56: {  	s0 =	simm.s32 @!p0 $0x3  }
0x57: {  	_ =	swait.ge @!p0 [sflag:s0], $0x2000  }
0x58: {  	[sflag:s0] =	ssyncset.done @!p0 $0x0  }
0x59: {  	s2 =	simm.s32 @!p0 $0x4400;
	[sflag:s0] =	ssyncadd.s32 @!p0 $0xFFFFE000;
	s0 =	sadd.s32 @!p0 $0xFFFFE800, s30  }
0x5a: {  	[hbm4b:s0+s31] =	stream.linear.scatter @!p0 [tilespmem:s2], [sflag:$0xB], $0x2000, $0x38;
	[tilespmem:$0x10400] =	vst v63  }
0x5b: {  	s0 =	simm.s32 @!p0 $0xB  }
0x5c: {  	_ =	swait.ge @!p0 [sflag:s0], $0x2000  }
0x5d: {  	[sflag:s0] =	ssyncset.done @!p0 $0x0  }
0x5e: {  	[sflag:s0] =	ssyncadd.s32 @!p0 $0xFFFFE000  }
0x5f: {  	v2 =	vld.msk [tilespmem:s28+$0xFFFFFFF0], $0xff;
	_ =	sdelay $0x4  }
0x60: {  	v3 =	vshll.u32 v2, $0x3  }
0x61: {  	v2 =	vand.u32 $0x7, v2;
	v3 =	vand.u32 $0xFFFFFFC0, v3  }
0x62: {  	v2 =	vor.u32 v2, v3  }
0x63: {  	v2 =	vperm.xlane v2, v0;
	_ =	sdelay $0x1  }
0x64: {  	v2 =	vadd.s32 v1, v2;
	_ =	sdelay $0x4  }
0x65: {  	[tilespmem:s20], [sflag:$0x3] =	stream.indirect_vreg.gather [hbm4b:s1+s3], $0x80, v2, vm0, $0xb8;
	[tilespmem:$0x10400] =	vst v63  }
0x66: {  	s0 =	rddreg [dreg:$0xa]  }
0x67: {  	[tilespmem:s0], [sflag:$0x3] =	stream.indirect_vreg.gather [hbm4b:s5+s3], $0x80, v2, vm0, $0xb8;
	[tilespmem:$0x10400] =	vst v63  }
0x68: {  	s2 =	rddreg [dreg:$0xb]  }
0x69: {  	[tilespmem:s2], [sflag:$0x3] =	stream.indirect_vreg.gather [hbm4b:s6+s3], $0x80, v2, vm0, $0xb8;
	[tilespmem:$0x10400] =	vst v63  }
0x6a: {  	s0 =	rddreg [dreg:$0xc]  }
0x6b: {  	[tilespmem:s0], [sflag:$0x3] =	stream.indirect_vreg.gather [hbm4b:s7+s3], $0x80, v2, vm0, $0xb8;
	[tilespmem:$0x10400] =	vst v63  }
0x6c: {  	s0 =	simm.s32 @!p0 $0x4  }
0x6d: {  	_ =	swait.ge @!p0 [sflag:s0], $0x2000  }
0x6e: {  	[sflag:s0] =	ssyncset.done @!p0 $0x0  }
0x6f: {  	s2 =	simm.s32 @!p0 $0x6400;
	[sflag:s0] =	ssyncadd.s32 @!p0 $0xFFFFE000;
	s0 =	sadd.s32 @!p0 $0xFFFFEC00, s30  }
0x70: {  	[hbm4b:s0+s31] =	stream.linear.scatter @!p0 [tilespmem:s2], [sflag:$0xC], $0x2000, $0x38;
	[tilespmem:$0x10400] =	vst v63  }
0x71: {  	s0 =	simm.s32 @!p0 $0xC  }
0x72: {  	_ =	swait.ge @!p0 [sflag:s0], $0x2000  }
0x73: {  	[sflag:s0] =	ssyncset.done @!p0 $0x0  }
0x74: {  	[sflag:s0] =	ssyncadd.s32 @!p0 $0xFFFFE000  }
0x75: {  	v2 =	vld.msk [tilespmem:s28+$0xFFFFFFF8], $0xff;
	_ =	sdelay $0x4  }
0x76: {  	v3 =	vshll.u32 v2, $0x3  }
0x77: {  	v2 =	vand.u32 $0x7, v2;
	v3 =	vand.u32 $0xFFFFFFC0, v3  }
0x78: {  	v2 =	vor.u32 v2, v3  }
0x79: {  	v2 =	vperm.xlane v2, v0;
	_ =	sdelay $0x1  }
0x7a: {  	v2 =	vadd.s32 v1, v2;
	_ =	sdelay $0x4  }
0x7b: {  	[tilespmem:s21], [sflag:$0x4] =	stream.indirect_vreg.gather [hbm4b:s1+s3], $0x80, v2, vm0, $0xb8;
	[tilespmem:$0x10400] =	vst v63  }
0x7c: {  	s0 =	rddreg [dreg:$0xd]  }
0x7d: {  	[tilespmem:s0], [sflag:$0x4] =	stream.indirect_vreg.gather [hbm4b:s5+s3], $0x80, v2, vm0, $0xb8;
	[tilespmem:$0x10400] =	vst v63  }
0x7e: {  	s2 =	rddreg [dreg:$0xe]  }
0x7f: {  	[tilespmem:s2], [sflag:$0x4] =	stream.indirect_vreg.gather [hbm4b:s6+s3], $0x80, v2, vm0, $0xb8;
	[tilespmem:$0x10400] =	vst v63  }
0x80: {  	s0 =	rddreg [dreg:$0xf]  }
0x81: {  	[tilespmem:s0], [sflag:$0x4] =	stream.indirect_vreg.gather [hbm4b:s7+s3], $0x80, v2, vm0, $0xb8;
	[tilespmem:$0x10400] =	vst v63  }
0x82: {  	s0 =	simm.s32 @!p0 $0x5  }
0x83: {  	_ =	swait.ge @!p0 [sflag:s0], $0x2000  }
0x84: {  	[sflag:s0] =	ssyncset.done @!p0 $0x0  }
0x85: {  	s2 =	simm.s32 @!p0 $0x8400;
	[sflag:s0] =	ssyncadd.s32 @!p0 $0xFFFFE000;
	s0 =	sadd.s32 @!p0 $0xFFFFF000, s30  }
0x86: {  	[hbm4b:s0+s31] =	stream.linear.scatter @!p0 [tilespmem:s2], [sflag:$0xD], $0x2000, $0x38;
	[tilespmem:$0x10400] =	vst v63  }
0x87: {  	s0 =	simm.s32 @!p0 $0xD  }
0x88: {  	_ =	swait.ge @!p0 [sflag:s0], $0x2000  }
0x89: {  	[sflag:s0] =	ssyncset.done @!p0 $0x0  }
0x8a: {  	[sflag:s0] =	ssyncadd.s32 @!p0 $0xFFFFE000  }
0x8b: {  	v2 =	vld.msk [tilespmem:s28+$0x0], $0xff;
	_ =	sdelay $0x4  }
0x8c: {  	v3 =	vshll.u32 v2, $0x3  }
0x8d: {  	v2 =	vand.u32 $0x7, v2;
	v3 =	vand.u32 $0xFFFFFFC0, v3  }
0x8e: {  	v2 =	vor.u32 v2, v3  }
0x8f: {  	v2 =	vperm.xlane v2, v0;
	_ =	sdelay $0x1  }
0x90: {  	v2 =	vadd.s32 v1, v2;
	_ =	sdelay $0x4  }
0x91: {  	[tilespmem:s22], [sflag:$0x5] =	stream.indirect_vreg.gather [hbm4b:s1+s3], $0x80, v2, vm0, $0xb8;
	[tilespmem:$0x10400] =	vst v63  }
0x92: {  	s0 =	rddreg [dreg:$0x10]  }
0x93: {  	[tilespmem:s0], [sflag:$0x5] =	stream.indirect_vreg.gather [hbm4b:s5+s3], $0x80, v2, vm0, $0xb8;
	[tilespmem:$0x10400] =	vst v63  }
0x94: {  	s2 =	rddreg [dreg:$0x11]  }
0x95: {  	[tilespmem:s2], [sflag:$0x5] =	stream.indirect_vreg.gather [hbm4b:s6+s3], $0x80, v2, vm0, $0xb8;
	[tilespmem:$0x10400] =	vst v63  }
0x96: {  	s0 =	rddreg [dreg:$0x12]  }
0x97: {  	[tilespmem:s0], [sflag:$0x5] =	stream.indirect_vreg.gather [hbm4b:s7+s3], $0x80, v2, vm0, $0xb8;
	[tilespmem:$0x10400] =	vst v63  }
0x98: {  	s0 =	simm.s32 @!p0 $0x6  }
0x99: {  	_ =	swait.ge @!p0 [sflag:s0], $0x2000  }
0x9a: {  	[sflag:s0] =	ssyncset.done @!p0 $0x0  }
0x9b: {  	s2 =	simm.s32 @!p0 $0xA400;
	[sflag:s0] =	ssyncadd.s32 @!p0 $0xFFFFE000;
	s0 =	sadd.s32 @!p0 $0xFFFFF400, s30  }
0x9c: {  	[hbm4b:s0+s31] =	stream.linear.scatter @!p0 [tilespmem:s2], [sflag:$0xE], $0x2000, $0x38;
	[tilespmem:$0x10400] =	vst v63  }
0x9d: {  	s0 =	simm.s32 @!p0 $0xE  }
0x9e: {  	_ =	swait.ge @!p0 [sflag:s0], $0x2000  }
0x9f: {  	[sflag:s0] =	ssyncset.done @!p0 $0x0  }
0xa0: {  	[sflag:s0] =	ssyncadd.s32 @!p0 $0xFFFFE000  }
0xa1: {  	v2 =	vld.msk [tilespmem:s28+$0x8], $0xff;
	_ =	sdelay $0x4  }
0xa2: {  	v3 =	vshll.u32 v2, $0x3  }
0xa3: {  	v2 =	vand.u32 $0x7, v2;
	v3 =	vand.u32 $0xFFFFFFC0, v3  }
0xa4: {  	v2 =	vor.u32 v2, v3  }
0xa5: {  	v2 =	vperm.xlane v2, v0;
	_ =	sdelay $0x1  }
0xa6: {  	v2 =	vadd.s32 v1, v2;
	_ =	sdelay $0x4  }
0xa7: {  	[tilespmem:s23], [sflag:$0x6] =	stream.indirect_vreg.gather [hbm4b:s1+s3], $0x80, v2, vm0, $0xb8;
	[tilespmem:$0x10400] =	vst v63  }
0xa8: {  	s0 =	rddreg [dreg:$0x13]  }
0xa9: {  	[tilespmem:s0], [sflag:$0x6] =	stream.indirect_vreg.gather [hbm4b:s5+s3], $0x80, v2, vm0, $0xb8;
	[tilespmem:$0x10400] =	vst v63  }
0xaa: {  	s2 =	rddreg [dreg:$0x14]  }
0xab: {  	[tilespmem:s2], [sflag:$0x6] =	stream.indirect_vreg.gather [hbm4b:s6+s3], $0x80, v2, vm0, $0xb8;
	[tilespmem:$0x10400] =	vst v63  }
0xac: {  	s0 =	rddreg [dreg:$0x15]  }
0xad: {  	[tilespmem:s0], [sflag:$0x6] =	stream.indirect_vreg.gather [hbm4b:s7+s3], $0x80, v2, vm0, $0xb8;
	[tilespmem:$0x10400] =	vst v63  }
0xae: {  	s0 =	simm.s32 @!p0 $0x7  }
0xaf: {  	_ =	swait.ge @!p0 [sflag:s0], $0x2000  }
0xb0: {  	[sflag:s0] =	ssyncset.done @!p0 $0x0  }
0xb1: {  	s2 =	simm.s32 @!p0 $0xC400;
	[sflag:s0] =	ssyncadd.s32 @!p0 $0xFFFFE000;
	s0 =	sadd.s32 @!p0 $0xFFFFF800, s30  }
0xb2: {  	[hbm4b:s0+s31] =	stream.linear.scatter @!p0 [tilespmem:s2], [sflag:$0xF], $0x2000, $0x38;
	[tilespmem:$0x10400] =	vst v63  }
0xb3: {  	s0 =	simm.s32 @!p0 $0xF  }
0xb4: {  	_ =	swait.ge @!p0 [sflag:s0], $0x2000  }
0xb5: {  	[sflag:s0] =	ssyncset.done @!p0 $0x0  }
0xb6: {  	[sflag:s0] =	ssyncadd.s32 @!p0 $0xFFFFE000  }
0xb7: {  	v2 =	vld.msk [tilespmem:s28+$0x10], $0xff;
	_ =	sdelay $0x4  }
0xb8: {  	v3 =	vshll.u32 v2, $0x3  }
0xb9: {  	v2 =	vand.u32 $0x7, v2;
	v3 =	vand.u32 $0xFFFFFFC0, v3  }
0xba: {  	v2 =	vor.u32 v2, v3  }
0xbb: {  	v2 =	vperm.xlane v2, v0;
	_ =	sdelay $0x1  }
0xbc: {  	v2 =	vadd.s32 v1, v2;
	_ =	sdelay $0x4  }
0xbd: {  	[tilespmem:s24], [sflag:$0x7] =	stream.indirect_vreg.gather [hbm4b:s1+s3], $0x80, v2, vm0, $0xb8;
	[tilespmem:$0x10400] =	vst v63  }
0xbe: {  	s0 =	rddreg [dreg:$0x16]  }
0xbf: {  	[tilespmem:s0], [sflag:$0x7] =	stream.indirect_vreg.gather [hbm4b:s5+s3], $0x80, v2, vm0, $0xb8;
	[tilespmem:$0x10400] =	vst v63  }
0xc0: {  	s2 =	rddreg [dreg:$0x17]  }
0xc1: {  	[tilespmem:s2], [sflag:$0x7] =	stream.indirect_vreg.gather [hbm4b:s6+s3], $0x80, v2, vm0, $0xb8;
	[tilespmem:$0x10400] =	vst v63  }
0xc2: {  	s0 =	rddreg [dreg:$0x18]  }
0xc3: {  	[tilespmem:s0], [sflag:$0x7] =	stream.indirect_vreg.gather [hbm4b:s7+s3], $0x80, v2, vm0, $0xb8;
	[tilespmem:$0x10400] =	vst v63  }
0xc4: {  	s0 =	simm.s32 @!p0 $0x8  }
0xc5: {  	_ =	swait.ge @!p0 [sflag:s0], $0x2000  }
0xc6: {  	[sflag:s0] =	ssyncset.done @!p0 $0x0  }
0xc7: {  	s2 =	simm.s32 @!p0 $0xE400;
	[sflag:s0] =	ssyncadd.s32 @!p0 $0xFFFFE000;
	s0 =	sadd.s32 @!p0 $0xFFFFFC00, s30  }
0xc8: {  	[hbm4b:s0+s31] =	stream.linear.scatter @!p0 [tilespmem:s2], [sflag:$0x10], $0x2000, $0x38;
	[tilespmem:$0x10400] =	vst v63  }
0xc9: {  	s0 =	simm.s32 @!p0 $0x10  }
0xca: {  	_ =	swait.ge @!p0 [sflag:s0], $0x2000  }
0xcb: {  	[sflag:s0] =	ssyncset.done @!p0 $0x0  }
0xcc: {  	[sflag:s0] =	ssyncadd.s32 @!p0 $0xFFFFE000  }
0xcd: {  	v2 =	vld.msk [tilespmem:s28+$0x18], $0xff;
	_ =	sdelay $0x4  }
0xce: {  	v3 =	vshll.u32 v2, $0x3  }
0xcf: {  	v2 =	vand.u32 $0x7, v2;
	v3 =	vand.u32 $0xFFFFFFC0, v3  }
0xd0: {  	v2 =	vor.u32 v2, v3  }
0xd1: {  	v2 =	vperm.xlane v2, v0;
	_ =	sdelay $0x1  }
0xd2: {  	v2 =	vadd.s32 v1, v2;
	_ =	sdelay $0x4  }
0xd3: {  	[tilespmem:s25], [sflag:$0x8] =	stream.indirect_vreg.gather [hbm4b:s1+s3], $0x80, v2, vm0, $0xb8;
	[tilespmem:$0x10400] =	vst v63  }
0xd4: {  	s30 =	rddreg [dreg:$0x19]  }
0xd5: {  	[tilespmem:s30], [sflag:$0x8] =	stream.indirect_vreg.gather [hbm4b:s5+s3], $0x80, v2, vm0, $0xb8;
	[tilespmem:$0x10400] =	vst v63  }
0xd6: {  	s31 =	rddreg [dreg:$0x1a]  }
0xd7: {  	[tilespmem:s31], [sflag:$0x8] =	stream.indirect_vreg.gather [hbm4b:s6+s3], $0x80, v2, vm0, $0xb8;
	[tilespmem:$0x10400] =	vst v63  }
0xd8: {  	s31 =	sadd.s32 s29, s16;
	s29 =	sadd.s32 $0x2000, s29  }
0xd9: {  	s30 =	rddreg [dreg:$0x1b];
	p0 =	sne.s32 s29, $0x20000  }
0xda: {  	[tilespmem:s30], [sflag:$0x8] =	stream.indirect_vreg.gather [hbm4b:s7+s3], $0x80, v2, vm0, $0xb8;
	[tilespmem:$0x10400] =	vst v63  }
.Ltmp0:
0xdb: {  	_ = 	snop;
	(pc) =	sbr.rel @p0 .LBB2_2-.Ltmp0, $4  }
0xdc: {  	_ =	swait.ge [sflag:s26], $0x2000  }
0xdd: {  	[sflag:s26] =	ssyncset.done $0x0  }
0xde: {  	s28 =	sadd.s32 $0x40, s28;
	[sflag:s26] =	ssyncadd.s32 $0xFFFFE000  }
0xdf: {  	[hbm4b:s31+s3] =	stream.linear.scatter [tilespmem:s18], [sflag:$0x9], $0x2000, $0x38;
	[tilespmem:$0x10400] =	vst v63  }
0xe0: {  	s0 =	simm.s32 $0x2  }
0xe1: {  	_ =	swait.ge [sflag:s0], $0x2000  }
0xe2: {  	[sflag:s0] =	ssyncset.done $0x0  }
0xe3: {  	s30 =	simm.s32 $0x3;
	s29 =	rddreg [dreg:$0x1d];
	[sflag:s0] =	ssyncadd.s32 $0xFFFFE000  }
0xe4: {  	[hbm4b:s29+s3] =	stream.linear.scatter [tilespmem:s19], [sflag:$0xA], $0x2000, $0x38;
	[tilespmem:$0x10400] =	vst v63  }
0xe5: {  	_ =	swait.ge [sflag:s30], $0x2000  }
0xe6: {  	[sflag:s30] =	ssyncset.done $0x0  }
0xe7: {  	s2 =	simm.s32 $0x4;
	s31 =	rddreg [dreg:$0x1e];
	[sflag:s30] =	ssyncadd.s32 $0xFFFFE000  }
0xe8: {  	[hbm4b:s31+s3] =	stream.linear.scatter [tilespmem:s20], [sflag:$0xB], $0x2000, $0x38;
	[tilespmem:$0x10400] =	vst v63  }
0xe9: {  	_ =	swait.ge [sflag:s2], $0x2000  }
0xea: {  	[sflag:s2] =	ssyncset.done $0x0  }
0xeb: {  	s29 =	simm.s32 $0x5;
	s28 =	rddreg [dreg:$0x1f];
	[sflag:s2] =	ssyncadd.s32 $0xFFFFE000  }
0xec: {  	[hbm4b:s28+s3] =	stream.linear.scatter [tilespmem:s21], [sflag:$0xC], $0x2000, $0x38;
	[tilespmem:$0x10400] =	vst v63  }
0xed: {  	_ =	swait.ge [sflag:s29], $0x2000  }
0xee: {  	s30 =	sld [smem:$0x7F9]  }
0xef: {  	[sflag:s29] =	ssyncset.done $0x0  }
0xf0: {  	s31 =	simm.s32 $0x6;
	[sflag:s29] =	ssyncadd.s32 $0xFFFFE000  }
0xf1: {  	[hbm4b:s30+s3] =	stream.linear.scatter [tilespmem:s22], [sflag:$0xD], $0x2000, $0x38;
	[tilespmem:$0x10400] =	vst v63  }
0xf2: {  	_ =	swait.ge [sflag:s31], $0x2000  }
0xf3: {  	s2 =	sld [smem:$0x7FA]  }
0xf4: {  	[sflag:s31] =	ssyncset.done $0x0  }
0xf5: {  	s28 =	simm.s32 $0x7;
	[sflag:s31] =	ssyncadd.s32 $0xFFFFE000  }
0xf6: {  	[hbm4b:s2+s3] =	stream.linear.scatter [tilespmem:s23], [sflag:$0xE], $0x2000, $0x38;
	[tilespmem:$0x10400] =	vst v63  }
0xf7: {  	_ =	swait.ge [sflag:s28], $0x2000  }
0xf8: {  	s29 =	sld [smem:$0x7FB]  }
0xf9: {  	[sflag:s28] =	ssyncset.done $0x0  }
0xfa: {  	[sflag:s28] =	ssyncadd.s32 $0xFFFFE000  }
0xfb: {  	[hbm4b:s29+s3] =	stream.linear.scatter [tilespmem:s24], [sflag:$0xF], $0x2000, $0x38;
	[tilespmem:$0x10400] =	vst v63  }
0xfc: {  	_ =	swait.ge [sflag:s4], $0x2000  }
0xfd: {  	s30 =	sld [smem:$0x7FC]  }
0xfe: {  	[sflag:s4] =	ssyncset.done $0x0  }
0xff: {  	[sflag:s4] =	ssyncadd.s32 $0xFFFFE000  }
0x100: {  	[hbm4b:s30+s3] =	stream.linear.scatter [tilespmem:s25], [sflag:$0x10], $0x2000, $0x38;
	[tilespmem:$0x10400] =	vst v63  }
0x101: {  	_ =	swait.ge [sflag:s8], $0x2000  }
0x102: {  	[sflag:s8] =	ssyncset.done $0x0  }
0x103: {  	[sflag:s8] =	ssyncadd.s32 $0xFFFFE000  }
0x104: {  	_ =	swait.ge [sflag:s9], $0x2000  }
0x105: {  	[sflag:s9] =	ssyncset.done $0x0  }
0x106: {  	[sflag:s9] =	ssyncadd.s32 $0xFFFFE000  }
0x107: {  	_ =	swait.ge [sflag:s10], $0x2000  }
0x108: {  	[sflag:s10] =	ssyncset.done $0x0  }
0x109: {  	[sflag:s10] =	ssyncadd.s32 $0xFFFFE000  }
0x10a: {  	_ =	swait.ge [sflag:s11], $0x2000  }
0x10b: {  	[sflag:s11] =	ssyncset.done $0x0  }
0x10c: {  	[sflag:s11] =	ssyncadd.s32 $0xFFFFE000  }
0x10d: {  	_ =	swait.ge [sflag:s12], $0x2000  }
0x10e: {  	[sflag:s12] =	ssyncset.done $0x0  }
0x10f: {  	[sflag:s12] =	ssyncadd.s32 $0xFFFFE000  }
0x110: {  	_ =	swait.ge [sflag:s13], $0x2000  }
0x111: {  	[sflag:s13] =	ssyncset.done $0x0  }
0x112: {  	[sflag:s13] =	ssyncadd.s32 $0xFFFFE000  }
0x113: {  	_ =	swait.ge [sflag:s14], $0x2000  }
0x114: {  	[sflag:s14] =	ssyncset.done $0x0  }
0x115: {  	[sflag:s14] =	ssyncadd.s32 $0xFFFFE000  }
0x116: {  	_ =	swait.ge [sflag:s15], $0x2000  }
0x117: {  	s31 =	sld [smem:$0x7FD];
	_ =	sdelay $0x1  }
0x118: {  	s17 =	sadd.s32 $0x1, s17  }
0x119: {  	p0 =	sne.s32 s17, s31  }
.Ltmp1:
0x11a: {  	_ = 	snop;
	(pc) =	sbr.rel @p0 .LBB2_1-.Ltmp1, $3  }
0x11b: {  	_ =	sdelay $0x1  }
0x11c: {  	[sflag:s15] =	ssyncset.done $0x0  }
0x11d: {  	[sflag:s15] =	ssyncadd.s32 $0xFFFFE000  }
0x11e: {  	_ =	sfence.sel $0x180000  }
0x11f: {  	[bflag:$0x0] =	sbarrier.arrive $0xFFFF  }
0x120: {  	_ =	strace $0x90000047  }
0x121: {  	s0 =	stileid.u32;
	[bflag:$0x2] =	sbarrier.arrive $0xFFFF  }
0x122: {  	p0 =	sne.s32 s0, $0x0;
	s0 =	rddreg [dreg:$0x3]  }
0x123: {  	s0 =	sadd.s32 @!p0 $0x100000, s0  }
0x124: {  	[sflag:s0] =	ssyncadd.tile.s32 @!p0 $0x1;
	_ =	shalt  }
.Lfunc_end2:
_tile_overlayer_lowered:
.L_overlay_start_2:
0x125: {  	(tag) =	ssettag $0x2  }
0x126: {  	s0 =	rddreg [dreg:$0x0];
	s2 =	stileid.u32  }
0x127: {  	s1 =	rddreg [dreg:$0x1];
	p0 =	sne.s32 s2, $0x0  }
0x128: {  	s3 =	rddreg [dreg:$0x2];
	[bflag:$0x3] =	sbarrier.arrive $0xFFFF;
	s2 =	simm.s32 @!p0 $0x1C11  }
0x129: {  	[timem:s3], [sflag:s2] =	dma.local @!p0 [hbm:s0], s1  }
0x12a: {  	s0 =	simm.s32 @!p0 $0x11  }
0x12b: {  	_ =	swait.ge @!p0 [sflag:s0], s1  }
0x12c: {  	s1 =	ssub.s32 @!p0 $0x0, s1;
	[sflag:s0] =	ssyncset.done @!p0 $0x0  }
0x12d: {  	[sflag:s0] =	ssyncadd.s32 @!p0 s1  }
0x12e: {  	[bflag:$0x3] =	sbarrier.arrive $0xFFFF  }
0x12f: {  	_ =	shalt  }

</sc_bundles>
